<compile_context>
chip_gen: v7x
topology: tpu7x:2x2x1
jax: 0.10.2.dev20260603
libtpu: 0.0.44.dev20260713+nightly
codegen_flags: <defaults>
</compile_context>

<pallas_src>
import jax
import jax.numpy as jnp
from jax import lax
from jax.experimental import pallas as pl
from jax.experimental.pallas import tpu as pltpu
from jax.experimental.pallas import tpu_sc as plsc

N_NODES_P = 10240
N_R = 512
N_RP = 256
NPC = N_NODES_P // 2
TBL = N_RP * NPC
TBL_P = TBL + 2048
N_EDGES = 320000
NC, NS, L = 2, 16, 16
EPT = N_EDGES // NS
QPT = N_RP // NS
BLK = 2560


def _sc_hist_body(dst_hbm, rel_hbm, zeros_hbm, out_hbm,
                  dst_v, rel_v, zsem, esem, table):
    c = lax.axis_index("c")
    s = lax.axis_index("s")

    zw = TBL_P // NS
    zcopy = pltpu.async_copy(zeros_hbm, table.at[pl.ds(s * zw, zw)], zsem)

    dcopy = pltpu.async_copy(dst_hbm.at[pl.ds(N_EDGES + s * EPT, EPT)],
                             dst_v, esem)
    rcopy = pltpu.async_copy(rel_hbm.at[pl.ds(s * EPT, EPT)], rel_v, esem)
    dcopy.wait()
    rcopy.wait()

    base = c * NPC
    trash = TBL + s * 64

    def compute_keys(i):
        d = dst_v[pl.ds(i * L, L)]
        r = rel_v[pl.ds(i * L, L)]
        db = d - base
        ok = (db >= 0) & (db < NPC)
        key = (r & 255) * NPC + db
        dst_v[pl.ds(i * L, L)] = jnp.where(
            ok, key, jnp.full((L,), trash, jnp.int32))
        rel_v[pl.ds(i * L, L)] = jnp.where(r < 256, 1, 65536)

    plsc.parallel_loop(0, EPT // L, unroll=8)(compute_keys)
    zcopy.wait()

    plsc.subcore_barrier()

    pltpu.sync_copy(rel_v, table.at[dst_v], add=True)

    plsc.subcore_barrier()

    copies = []
    for j in range(QPT):
        q = s * QPT + j
        copies.append(pltpu.async_copy(
            table.at[pl.ds(q * NPC, NPC)],
            out_hbm.at[q, pl.ds(c * NPC, NPC)], zsem))
    for cp in copies:
        cp.wait()


def _sc_hist(dst, rel, zeros):
    mesh = plsc.VectorSubcoreMesh(core_axis_name="c", subcore_axis_name="s",
                                  num_cores=NC, num_subcores=NS)
    return pl.kernel(
        _sc_hist_body,
        out_type=jax.ShapeDtypeStruct((N_RP, N_NODES_P), jnp.int32),
        mesh=mesh,
        scratch_types=[
            pltpu.VMEM((EPT,), jnp.int32),
            pltpu.VMEM((EPT,), jnp.int32),
            pltpu.SemaphoreType.DMA,
            pltpu.SemaphoreType.DMA,
            pltpu.VMEM_SHARED((TBL_P,), jnp.int32),
        ],
    )(dst, rel, zeros)


def _tc_dense_body(ent_ref, cnt_ref, rel_ref, relt_ref, w_ref, out_ref):
    ent = ent_ref[...]
    rel = rel_ref[...]
    st = lax.dot_general(rel, ent, (((1,), (1,)), ((), ())),
                         precision=lax.Precision.HIGHEST,
                         preferred_element_type=jnp.float32)
    w = cnt_ref[...]
    lo = jnp.bitwise_and(w, 0xFFFF)
    hi = lax.shift_right_logical(w, 16)
    cntf = jnp.concatenate([lo, hi], axis=0).astype(jnp.float32)
    mask = cntf > 0.0
    m = jnp.max(jnp.where(mask, st, -jnp.inf), axis=0, keepdims=True)
    e = cntf * jnp.exp(jnp.minimum(st - m, 0.0))
    den = jnp.sum(e, axis=0, keepdims=True)
    a = e * jnp.where(den > 0.0, 1.0 / den, 0.0)
    neigh_t = lax.dot_general(relt_ref[...], a, (((1,), (0,)), ((), ())),
                              precision=lax.Precision.HIGHEST,
                              preferred_element_type=jnp.float32)
    out_ref[...] = jnp.tanh(
        lax.dot_general(neigh_t, w_ref[...], (((0,), (0,)), ((), ())),
                        precision=lax.Precision.HIGHEST,
                        preferred_element_type=jnp.float32))


def _tc_dense(ent_emb, cnt, rel_emb, rel_t, neigh_w):
    n_nodes = ent_emb.shape[0]
    grid = (pl.cdiv(N_NODES_P, BLK),)
    return pl.pallas_call(
        _tc_dense_body,
        grid=grid,
        in_specs=[
            pl.BlockSpec((BLK, 128), lambda i: (i, 0)),
            pl.BlockSpec((N_RP, BLK), lambda i: (0, i)),
            pl.BlockSpec((N_R, 128), lambda i: (0, 0)),
            pl.BlockSpec((128, N_R), lambda i: (0, 0)),
            pl.BlockSpec((128, 128), lambda i: (0, 0)),
        ],
        out_specs=pl.BlockSpec((BLK, 128), lambda i: (i, 0)),
        out_shape=jax.ShapeDtypeStruct((n_nodes, 128), jnp.float32),
    )(ent_emb, cnt, rel_emb, rel_t, neigh_w)


@jax.jit
def kernel(ent_emb, rel_emb, neigh_w, edge_index, rel_id):
    edges = edge_index.astype(jnp.int32).reshape(-1)
    rel = rel_id.astype(jnp.int32)
    zeros = jnp.zeros((TBL_P // NS,), jnp.int32)
    cnt = _sc_hist(edges, rel, zeros)
    return _tc_dense(ent_emb, cnt, rel_emb, rel_emb.T, neigh_w)

# --- scband reference (transcript-rebuilt; emitter-appended) ---
"""Pipeline reference for scband-edge-layer-13134009991287 (READ-ONLY COPY).

The authoritative reference and input builder live on the scoring server;
editing this copy changes nothing except your own understanding.
"""

import jax, jax.numpy as jnp
import numpy as np

N_NODES = 10000
N_EDGES = 320000
H_DIM = 128
N_REL = 256


def setup_inputs(seed: int = 0) -> dict:
    key = jax.random.key(seed)
    k1, k2, k3, k4, k5 = jax.random.split(key, 5)
    ent_emb = jax.random.normal(k1, (N_NODES, H_DIM), dtype=jnp.float32)
    rel_emb = jax.random.normal(k2, (2 * N_REL, H_DIM), dtype=jnp.float32)
    neigh_w = jax.random.normal(k3, (H_DIM, H_DIM), dtype=jnp.float32) * (1.0 / np.sqrt(H_DIM))
    edge_index = jax.random.randint(k4, (2, N_EDGES), 0, N_NODES)
    rel_id = jax.random.randint(k5, (N_EDGES,), 0, 2 * N_REL)
    return {"ent_emb": ent_emb, "rel_emb": rel_emb, "neigh_w": neigh_w, "edge_index": edge_index, "rel_id": rel_id}


def _segment_softmax(scores, seg, num_segments):
    seg_max = jax.ops.segment_max(scores, seg, num_segments=num_segments)
    seg_max = jnp.where(jnp.isfinite(seg_max), seg_max, 0.0)
    ex = jnp.exp(scores - seg_max[seg])
    denom = jax.ops.segment_sum(ex, seg, num_segments=num_segments)
    return ex / (denom[seg] + 1e-16)


def reference(ent_emb, rel_emb, neigh_w, edge_index, rel_id):
    # kg.edata['emb'] = rel_emb[rel_id]  (gather)
    e_emb = jnp.take(rel_emb, rel_id, axis=0)
    dst = edge_index[1]
    # fn.e_dot_v('emb','emb','norm'): dot(edge_emb, dst_node_emb) per edge
    norm = jnp.sum(e_emb * jnp.take(ent_emb, dst, axis=0), axis=-1)
    # dgl.ops.edge_softmax over incoming edges grouped by dst node
    norm = _segment_softmax(norm, dst, N_NODES)
    # kg.edata['emb'] = emb * norm; update_all(copy_e, sum) -> scatter-add by dst
    msg = e_emb * norm[:, None]
    neigh = jax.ops.segment_sum(msg, dst, num_segments=N_NODES)
    # neigh @ W, tanh (bn disabled)
    out = jnp.tanh(neigh @ neigh_w)
    return out

if __name__ == "__main__":
    import jax
    _d = setup_inputs()
    print(jax.jit(kernel)(*tuple(_d.values())))

</pallas_src>

<mosaic_0001>
#map = affine_map<(d0, d1) -> (0)>
#map1 = affine_map<(d0, d1) -> (0, 0)>
module attributes {stable_mosaic.version = 14 : i64} {
  func.func @_sc_hist_body(%arg0: i32, %arg1: i32, %arg2: memref<640000xi32, #tpu.memory_space<hbm>>, %arg3: memref<320000xi32, #tpu.memory_space<hbm>>, %arg4: memref<82048xi32, #tpu.memory_space<hbm>>, %arg5: memref<256x10240xi32, #tpu.memory_space<hbm>>, %arg6: memref<20000xi32, #tpu.memory_space<vmem>>, %arg7: memref<20000xi32, #tpu.memory_space<vmem>>, %arg8: memref<!tpu.dma_semaphore, #tpu.memory_space<semaphore_mem>>, %arg9: memref<!tpu.dma_semaphore, #tpu.memory_space<semaphore_mem>>, %arg10: memref<1312768xi32, #tpu.memory_space<vmem_shared>>) attributes {dimension_semantics = [#tpu.dimension_semantics<core_parallel>, #tpu.dimension_semantics<subcore_parallel>], iteration_bounds = array<i64: 2, 16>, scalar_prefetch = 0 : i64, scratch_operands = 5 : i64, tpu.core_type = #tpu.core_type<sc_vector_subcore>, window_params = [{transform_indices = #map}, {transform_indices = #map}, {transform_indices = #map}, {transform_indices = #map1}]} {
    %mul3A = arith.constant 82048 : i32
    %mul3A_0 = arith.muli %arg1, %mul3A : i32
    %dma_start3A = tpu.memref_slice %arg10[%mul3A_0] : memref<1312768xi32, #tpu.memory_space<vmem_shared>> -> memref<82048xi32, #tpu.memory_space<vmem_shared>>
    tpu.enqueue_dma source(%arg4 : memref<82048xi32, #tpu.memory_space<hbm>>) target(%dma_start3A : memref<82048xi32, #tpu.memory_space<vmem_shared>>) target_semaphore(%arg8 : memref<!tpu.dma_semaphore, #tpu.memory_space<semaphore_mem>>)
    %mul3A_1 = arith.constant 20000 : i32
    %mul3A_2 = arith.muli %arg1, %mul3A_1 : i32
    %add3A = arith.constant 320000 : i32
    %add3A_3 = arith.addi %add3A, %mul3A_2 : i32
    %dma_start3A_4 = tpu.memref_slice %arg2[%add3A_3] : memref<640000xi32, #tpu.memory_space<hbm>> -> memref<20000xi32, #tpu.memory_space<hbm>>
    %dma_start3A_5 = tpu.memref_slice %arg2[%add3A_3] : memref<640000xi32, #tpu.memory_space<hbm>> -> memref<20000xi32, #tpu.memory_space<hbm>>
    tpu.enqueue_dma source(%dma_start3A_5 : memref<20000xi32, #tpu.memory_space<hbm>>) target(%arg6 : memref<20000xi32, #tpu.memory_space<vmem>>) target_semaphore(%arg9 : memref<!tpu.dma_semaphore, #tpu.memory_space<semaphore_mem>>)
    %mul3A_6 = arith.constant 20000 : i32
    %mul3A_7 = arith.muli %arg1, %mul3A_6 : i32
    %dma_start3A_8 = tpu.memref_slice %arg3[%mul3A_7] : memref<320000xi32, #tpu.memory_space<hbm>> -> memref<20000xi32, #tpu.memory_space<hbm>>
    %dma_start3A_9 = tpu.memref_slice %arg3[%mul3A_7] : memref<320000xi32, #tpu.memory_space<hbm>> -> memref<20000xi32, #tpu.memory_space<hbm>>
    tpu.enqueue_dma source(%dma_start3A_9 : memref<20000xi32, #tpu.memory_space<hbm>>) target(%arg7 : memref<20000xi32, #tpu.memory_space<vmem>>) target_semaphore(%arg9 : memref<!tpu.dma_semaphore, #tpu.memory_space<semaphore_mem>>)
    %dma_wait3A = tpu.memref_slice %arg2[%add3A_3] : memref<640000xi32, #tpu.memory_space<hbm>> -> memref<20000xi32, #tpu.memory_space<hbm>>
    %dma_wait3A_10 = tpu.memref_slice %arg2[%add3A_3] : memref<640000xi32, #tpu.memory_space<hbm>> -> memref<20000xi32, #tpu.memory_space<hbm>>
    tpu.wait_dma2 semaphore(%arg9 : memref<!tpu.dma_semaphore, #tpu.memory_space<semaphore_mem>>) src(%dma_wait3A_10 : memref<20000xi32, #tpu.memory_space<hbm>>) dst(%arg6 : memref<20000xi32, #tpu.memory_space<vmem>>)
    %dma_wait3A_11 = tpu.memref_slice %arg3[%mul3A_7] : memref<320000xi32, #tpu.memory_space<hbm>> -> memref<20000xi32, #tpu.memory_space<hbm>>
    %dma_wait3A_12 = tpu.memref_slice %arg3[%mul3A_7] : memref<320000xi32, #tpu.memory_space<hbm>> -> memref<20000xi32, #tpu.memory_space<hbm>>
    tpu.wait_dma2 semaphore(%arg9 : memref<!tpu.dma_semaphore, #tpu.memory_space<semaphore_mem>>) src(%dma_wait3A_12 : memref<20000xi32, #tpu.memory_space<hbm>>) dst(%arg7 : memref<20000xi32, #tpu.memory_space<vmem>>)
    %mul3A_13 = arith.constant 5120 : i32
    %mul3A_14 = arith.muli %arg0, %mul3A_13 : i32
    %mul3A_15 = arith.constant 64 : i32
    %mul3A_16 = arith.muli %arg1, %mul3A_15 : i32
    %add3A_17 = arith.constant 1310720 : i32
    %add3A_18 = arith.addi %add3A_17, %mul3A_16 : i32
    %parallel_loop3A = arith.constant 0 : i32
    %parallel_loop3A_19 = arith.constant 1250 : i32
    %parallel_loop3A_20 = arith.constant 1 : i32
    scf.for %parallel_loop3A_247 = %parallel_loop3A to %parallel_loop3A_19 step %parallel_loop3A_20  : i32 {
      %parallel_loop3A_248 = arith.constant 16 : i32
      %parallel_loop3A_249 = arith.muli %parallel_loop3A_247, %parallel_loop3A_248 : i32
      %parallel_loop3A_250 = arith.index_cast %parallel_loop3A_249 : i32 to index
      %parallel_loop3A_251 = tpu.vector_load %arg6[%parallel_loop3A_250] {strides = array<i32>} : memref<20000xi32, #tpu.memory_space<vmem>>, vector<16xi32>,
      %parallel_loop3A_252 = vector.shape_cast %parallel_loop3A_251 : vector<16xi32> to vector<16xi32>
      %parallel_loop3A_253 = arith.constant 16 : i32
      %parallel_loop3A_254 = arith.muli %parallel_loop3A_247, %parallel_loop3A_253 : i32
      %parallel_loop3A_255 = arith.index_cast %parallel_loop3A_254 : i32 to index
      %parallel_loop3A_256 = tpu.vector_load %arg7[%parallel_loop3A_255] {strides = array<i32>} : memref<20000xi32, #tpu.memory_space<vmem>>, vector<16xi32>,
      %parallel_loop3A_257 = vector.shape_cast %parallel_loop3A_256 : vector<16xi32> to vector<16xi32>
      %parallel_loop3A_258 = vector.broadcast %mul3A_14 : i32 to vector<16xi32>
      %parallel_loop3A_259 = arith.subi %parallel_loop3A_252, %parallel_loop3A_258 : vector<16xi32>
      %parallel_loop3A_260 = arith.constant 0 : i32
      %parallel_loop3A_261 = vector.broadcast %parallel_loop3A_260 : i32 to vector<16xi32>
      %parallel_loop3A_262 = arith.cmpi sge, %parallel_loop3A_259, %parallel_loop3A_261 : vector<16xi32>
      %parallel_loop3A_263 = arith.constant 5120 : i32
      %parallel_loop3A_264 = vector.broadcast %parallel_loop3A_263 : i32 to vector<16xi32>
      %parallel_loop3A_265 = arith.cmpi slt, %parallel_loop3A_259, %parallel_loop3A_264 : vector<16xi32>
      %parallel_loop3A_266 = arith.andi %parallel_loop3A_262, %parallel_loop3A_265 : vector<16xi1>
      %parallel_loop3A_267 = arith.constant 255 : i32
      %parallel_loop3A_268 = vector.broadcast %parallel_loop3A_267 : i32 to vector<16xi32>
      %parallel_loop3A_269 = arith.andi %parallel_loop3A_257, %parallel_loop3A_268 : vector<16xi32>
      %parallel_loop3A_270 = arith.constant 5120 : i32
      %parallel_loop3A_271 = vector.broadcast %parallel_loop3A_270 : i32 to vector<16xi32>
      %parallel_loop3A_272 = arith.muli %parallel_loop3A_269, %parallel_loop3A_271 : vector<16xi32>
      %parallel_loop3A_273 = arith.addi %parallel_loop3A_272, %parallel_loop3A_259 : vector<16xi32>
      %parallel_loop3A_274 = vector.broadcast %add3A_18 : i32 to vector<16xi32>
      %parallel_loop3A_275 = arith.select %parallel_loop3A_266, %parallel_loop3A_273, %parallel_loop3A_274 : vector<16xi1>, vector<16xi32>
      %parallel_loop3A_276 = arith.constant 16 : i32
      %parallel_loop3A_277 = arith.muli %parallel_loop3A_247, %parallel_loop3A_276 : i32
      %parallel_loop3A_278 = arith.index_cast %parallel_loop3A_277 : i32 to index
      %parallel_loop3A_279 = tpu.vector_load %arg6[%parallel_loop3A_278] {strides = array<i32>} : memref<20000xi32, #tpu.memory_space<vmem>>, vector<16xi32>,
      %parallel_loop3A_280 = vector.shape_cast %parallel_loop3A_279 : vector<16xi32> to vector<16xi32>
      %parallel_loop3A_281 = vector.shape_cast %parallel_loop3A_275 : vector<16xi32> to vector<16xi32>
      tpu.vector_store %arg6[%parallel_loop3A_278], %parallel_loop3A_281 {strides = array<i32>} : memref<20000xi32, #tpu.memory_space<vmem>>, vector<16xi32>,
      %parallel_loop3A_282 = arith.constant 256 : i32
      %parallel_loop3A_283 = vector.broadcast %parallel_loop3A_282 : i32 to vector<16xi32>
      %parallel_loop3A_284 = arith.cmpi slt, %parallel_loop3A_257, %parallel_loop3A_283 : vector<16xi32>
      %parallel_loop3A_285 = arith.constant 1 : i32
      %parallel_loop3A_286 = arith.constant 65536 : i32
      %parallel_loop3A_287 = vector.broadcast %parallel_loop3A_285 : i32 to vector<16xi32>
      %parallel_loop3A_288 = vector.broadcast %parallel_loop3A_286 : i32 to vector<16xi32>
      %parallel_loop3A_289 = arith.select %parallel_loop3A_284, %parallel_loop3A_287, %parallel_loop3A_288 : vector<16xi1>, vector<16xi32>
      %parallel_loop3A_290 = arith.constant 16 : i32
      %parallel_loop3A_291 = arith.muli %parallel_loop3A_247, %parallel_loop3A_290 : i32
      %parallel_loop3A_292 = arith.index_cast %parallel_loop3A_291 : i32 to index
      %parallel_loop3A_293 = tpu.vector_load %arg7[%parallel_loop3A_292] {strides = array<i32>} : memref<20000xi32, #tpu.memory_space<vmem>>, vector<16xi32>,
      %parallel_loop3A_294 = vector.shape_cast %parallel_loop3A_293 : vector<16xi32> to vector<16xi32>
      %parallel_loop3A_295 = vector.shape_cast %parallel_loop3A_289 : vector<16xi32> to vector<16xi32>
      tpu.vector_store %arg7[%parallel_loop3A_292], %parallel_loop3A_295 {strides = array<i32>} : memref<20000xi32, #tpu.memory_space<vmem>>, vector<16xi32>,
    } {sc.loop_unroll_factor = 8 : i64, sc.parallel_access}
    %dma_wait3A_21 = tpu.memref_slice %arg10[%mul3A_0] : memref<1312768xi32, #tpu.memory_space<vmem_shared>> -> memref<82048xi32, #tpu.memory_space<vmem_shared>>
    tpu.wait_dma2 semaphore(%arg8 : memref<!tpu.dma_semaphore, #tpu.memory_space<semaphore_mem>>) src(%arg4 : memref<82048xi32, #tpu.memory_space<hbm>>) dst(%dma_wait3A_21 : memref<82048xi32, #tpu.memory_space<vmem_shared>>)
    %barrier3A = arith.constant 0 : index
    tpu.barrier barrier_id(%barrier3A)
    "tpu.region"() ({
      %run_scoped3A = tpu.sem_alloc : memref<!tpu.dma_semaphore, #tpu.memory_space<semaphore_mem>>
      %dma_start3A_247 = arith.constant 0 : i32
      %dma_start3A_248 = tpu.memref_slice %arg10[%dma_start3A_247] : memref<1312768xi32, #tpu.memory_space<vmem_shared>> -> memref<1312768xi32, #tpu.memory_space<vmem_shared>>
      tpu.enqueue_indirect_dma source(%arg7 : memref<20000xi32, #tpu.memory_space<vmem>>) target(%dma_start3A_248 : memref<1312768xi32, #tpu.memory_space<vmem_shared>>) offsets(%arg6 : memref<20000xi32, #tpu.memory_space<vmem>>) semaphore(%run_scoped3A : memref<!tpu.dma_semaphore, #tpu.memory_space<semaphore_mem>>) {add = true}
      %dma_wait3A_249 = arith.constant 0 : i32
      %dma_wait3A_250 = tpu.memref_slice %arg10[%dma_wait3A_249] : memref<1312768xi32, #tpu.memory_space<vmem_shared>> -> memref<1312768xi32, #tpu.memory_space<vmem_shared>>
      tpu.wait_indirect_dma semaphore(%run_scoped3A : memref<!tpu.dma_semaphore, #tpu.memory_space<semaphore_mem>>) src(%arg7 : memref<20000xi32, #tpu.memory_space<vmem>>) dst(%dma_wait3A_250 : memref<1312768xi32, #tpu.memory_space<vmem_shared>>)
      tpu.yield
    }) : () -> ()
    %barrier3A_22 = arith.constant 0 : index
    tpu.barrier barrier_id(%barrier3A_22)
    %mul3A_23 = arith.constant 16 : i32
    %mul3A_24 = arith.muli %arg1, %mul3A_23 : i32
    %add3A_25 = arith.constant 0 : i32
    %add3A_26 = arith.addi %mul3A_24, %add3A_25 : i32
    %mul3A_27 = arith.constant 5120 : i32
    %mul3A_28 = arith.muli %add3A_26, %mul3A_27 : i32
    %mul3A_29 = arith.constant 5120 : i32
    %mul3A_30 = arith.muli %arg0, %mul3A_29 : i32
    %dma_start3A_31 = tpu.memref_slice %arg5[%add3A_26, %mul3A_30] : memref<256x10240xi32, #tpu.memory_space<hbm>> -> memref<1x5120xi32, #tpu.memory_space<hbm>>
    %dma_start3A_32 = tpu.memref_squeeze %dma_start3A_31 : memref<1x5120xi32, #tpu.memory_space<hbm>> -> memref<5120xi32, #tpu.memory_space<hbm>>
    %dma_start3A_33 = tpu.memref_slice %arg10[%mul3A_28] : memref<1312768xi32, #tpu.memory_space<vmem_shared>> -> memref<5120xi32, #tpu.memory_space<vmem_shared>>
    tpu.enqueue_dma source(%dma_start3A_33 : memref<5120xi32, #tpu.memory_space<vmem_shared>>) target(%dma_start3A_32 : memref<5120xi32, #tpu.memory_space<hbm>>) target_semaphore(%arg8 : memref<!tpu.dma_semaphore, #tpu.memory_space<semaphore_mem>>)
    %mul3A_34 = arith.constant 16 : i32
    %mul3A_35 = arith.muli %arg1, %mul3A_34 : i32
    %add3A_36 = arith.constant 1 : i32
    %add3A_37 = arith.addi %mul3A_35, %add3A_36 : i32
    %mul3A_38 = arith.constant 5120 : i32
    %mul3A_39 = arith.muli %add3A_37, %mul3A_38 : i32
    %mul3A_40 = arith.constant 5120 : i32
    %mul3A_41 = arith.muli %arg0, %mul3A_40 : i32
    %dma_start3A_42 = tpu.memref_slice %arg5[%add3A_37, %mul3A_41] : memref<256x10240xi32, #tpu.memory_space<hbm>> -> memref<1x5120xi32, #tpu.memory_space<hbm>>
    %dma_start3A_43 = tpu.memref_squeeze %dma_start3A_42 : memref<1x5120xi32, #tpu.memory_space<hbm>> -> memref<5120xi32, #tpu.memory_space<hbm>>
    %dma_start3A_44 = tpu.memref_slice %arg10[%mul3A_39] : memref<1312768xi32, #tpu.memory_space<vmem_shared>> -> memref<5120xi32, #tpu.memory_space<vmem_shared>>
    tpu.enqueue_dma source(%dma_start3A_44 : memref<5120xi32, #tpu.memory_space<vmem_shared>>) target(%dma_start3A_43 : memref<5120xi32, #tpu.memory_space<hbm>>) target_semaphore(%arg8 : memref<!tpu.dma_semaphore, #tpu.memory_space<semaphore_mem>>)
    %mul3A_45 = arith.constant 16 : i32
    %mul3A_46 = arith.muli %arg1, %mul3A_45 : i32
    %add3A_47 = arith.constant 2 : i32
    %add3A_48 = arith.addi %mul3A_46, %add3A_47 : i32
    %mul3A_49 = arith.constant 5120 : i32
    %mul3A_50 = arith.muli %add3A_48, %mul3A_49 : i32
    %mul3A_51 = arith.constant 5120 : i32
    %mul3A_52 = arith.muli %arg0, %mul3A_51 : i32
    %dma_start3A_53 = tpu.memref_slice %arg5[%add3A_48, %mul3A_52] : memref<256x10240xi32, #tpu.memory_space<hbm>> -> memref<1x5120xi32, #tpu.memory_space<hbm>>
    %dma_start3A_54 = tpu.memref_squeeze %dma_start3A_53 : memref<1x5120xi32, #tpu.memory_space<hbm>> -> memref<5120xi32, #tpu.memory_space<hbm>>
    %dma_start3A_55 = tpu.memref_slice %arg10[%mul3A_50] : memref<1312768xi32, #tpu.memory_space<vmem_shared>> -> memref<5120xi32, #tpu.memory_space<vmem_shared>>
    tpu.enqueue_dma source(%dma_start3A_55 : memref<5120xi32, #tpu.memory_space<vmem_shared>>) target(%dma_start3A_54 : memref<5120xi32, #tpu.memory_space<hbm>>) target_semaphore(%arg8 : memref<!tpu.dma_semaphore, #tpu.memory_space<semaphore_mem>>)
    %mul3A_56 = arith.constant 16 : i32
    %mul3A_57 = arith.muli %arg1, %mul3A_56 : i32
    %add3A_58 = arith.constant 3 : i32
    %add3A_59 = arith.addi %mul3A_57, %add3A_58 : i32
    %mul3A_60 = arith.constant 5120 : i32
    %mul3A_61 = arith.muli %add3A_59, %mul3A_60 : i32
    %mul3A_62 = arith.constant 5120 : i32
    %mul3A_63 = arith.muli %arg0, %mul3A_62 : i32
    %dma_start3A_64 = tpu.memref_slice %arg5[%add3A_59, %mul3A_63] : memref<256x10240xi32, #tpu.memory_space<hbm>> -> memref<1x5120xi32, #tpu.memory_space<hbm>>
    %dma_start3A_65 = tpu.memref_squeeze %dma_start3A_64 : memref<1x5120xi32, #tpu.memory_space<hbm>> -> memref<5120xi32, #tpu.memory_space<hbm>>
    %dma_start3A_66 = tpu.memref_slice %arg10[%mul3A_61] : memref<1312768xi32, #tpu.memory_space<vmem_shared>> -> memref<5120xi32, #tpu.memory_space<vmem_shared>>
    tpu.enqueue_dma source(%dma_start3A_66 : memref<5120xi32, #tpu.memory_space<vmem_shared>>) target(%dma_start3A_65 : memref<5120xi32, #tpu.memory_space<hbm>>) target_semaphore(%arg8 : memref<!tpu.dma_semaphore, #tpu.memory_space<semaphore_mem>>)
    %mul3A_67 = arith.constant 16 : i32
    %mul3A_68 = arith.muli %arg1, %mul3A_67 : i32
    %add3A_69 = arith.constant 4 : i32
    %add3A_70 = arith.addi %mul3A_68, %add3A_69 : i32
    %mul3A_71 = arith.constant 5120 : i32
    %mul3A_72 = arith.muli %add3A_70, %mul3A_71 : i32
    %mul3A_73 = arith.constant 5120 : i32
    %mul3A_74 = arith.muli %arg0, %mul3A_73 : i32
    %dma_start3A_75 = tpu.memref_slice %arg5[%add3A_70, %mul3A_74] : memref<256x10240xi32, #tpu.memory_space<hbm>> -> memref<1x5120xi32, #tpu.memory_space<hbm>>
    %dma_start3A_76 = tpu.memref_squeeze %dma_start3A_75 : memref<1x5120xi32, #tpu.memory_space<hbm>> -> memref<5120xi32, #tpu.memory_space<hbm>>
    %dma_start3A_77 = tpu.memref_slice %arg10[%mul3A_72] : memref<1312768xi32, #tpu.memory_space<vmem_shared>> -> memref<5120xi32, #tpu.memory_space<vmem_shared>>
    tpu.enqueue_dma source(%dma_start3A_77 : memref<5120xi32, #tpu.memory_space<vmem_shared>>) target(%dma_start3A_76 : memref<5120xi32, #tpu.memory_space<hbm>>) target_semaphore(%arg8 : memref<!tpu.dma_semaphore, #tpu.memory_space<semaphore_mem>>)
    %mul3A_78 = arith.constant 16 : i32
    %mul3A_79 = arith.muli %arg1, %mul3A_78 : i32
    %add3A_80 = arith.constant 5 : i32
    %add3A_81 = arith.addi %mul3A_79, %add3A_80 : i32
    %mul3A_82 = arith.constant 5120 : i32
    %mul3A_83 = arith.muli %add3A_81, %mul3A_82 : i32
    %mul3A_84 = arith.constant 5120 : i32
    %mul3A_85 = arith.muli %arg0, %mul3A_84 : i32
    %dma_start3A_86 = tpu.memref_slice %arg5[%add3A_81, %mul3A_85] : memref<256x10240xi32, #tpu.memory_space<hbm>> -> memref<1x5120xi32, #tpu.memory_space<hbm>>
    %dma_start3A_87 = tpu.memref_squeeze %dma_start3A_86 : memref<1x5120xi32, #tpu.memory_space<hbm>> -> memref<5120xi32, #tpu.memory_space<hbm>>
    %dma_start3A_88 = tpu.memref_slice %arg10[%mul3A_83] : memref<1312768xi32, #tpu.memory_space<vmem_shared>> -> memref<5120xi32, #tpu.memory_space<vmem_shared>>
    tpu.enqueue_dma source(%dma_start3A_88 : memref<5120xi32, #tpu.memory_space<vmem_shared>>) target(%dma_start3A_87 : memref<5120xi32, #tpu.memory_space<hbm>>) target_semaphore(%arg8 : memref<!tpu.dma_semaphore, #tpu.memory_space<semaphore_mem>>)
    %mul3A_89 = arith.constant 16 : i32
    %mul3A_90 = arith.muli %arg1, %mul3A_89 : i32
    %add3A_91 = arith.constant 6 : i32
    %add3A_92 = arith.addi %mul3A_90, %add3A_91 : i32
    %mul3A_93 = arith.constant 5120 : i32
    %mul3A_94 = arith.muli %add3A_92, %mul3A_93 : i32
    %mul3A_95 = arith.constant 5120 : i32
    %mul3A_96 = arith.muli %arg0, %mul3A_95 : i32
    %dma_start3A_97 = tpu.memref_slice %arg5[%add3A_92, %mul3A_96] : memref<256x10240xi32, #tpu.memory_space<hbm>> -> memref<1x5120xi32, #tpu.memory_space<hbm>>
    %dma_start3A_98 = tpu.memref_squeeze %dma_start3A_97 : memref<1x5120xi32, #tpu.memory_space<hbm>> -> memref<5120xi32, #tpu.memory_space<hbm>>
    %dma_start3A_99 = tpu.memref_slice %arg10[%mul3A_94] : memref<1312768xi32, #tpu.memory_space<vmem_shared>> -> memref<5120xi32, #tpu.memory_space<vmem_shared>>
    tpu.enqueue_dma source(%dma_start3A_99 : memref<5120xi32, #tpu.memory_space<vmem_shared>>) target(%dma_start3A_98 : memref<5120xi32, #tpu.memory_space<hbm>>) target_semaphore(%arg8 : memref<!tpu.dma_semaphore, #tpu.memory_space<semaphore_mem>>)
    %mul3A_100 = arith.constant 16 : i32
    %mul3A_101 = arith.muli %arg1, %mul3A_100 : i32
    %add3A_102 = arith.constant 7 : i32
    %add3A_103 = arith.addi %mul3A_101, %add3A_102 : i32
    %mul3A_104 = arith.constant 5120 : i32
    %mul3A_105 = arith.muli %add3A_103, %mul3A_104 : i32
    %mul3A_106 = arith.constant 5120 : i32
    %mul3A_107 = arith.muli %arg0, %mul3A_106 : i32
    %dma_start3A_108 = tpu.memref_slice %arg5[%add3A_103, %mul3A_107] : memref<256x10240xi32, #tpu.memory_space<hbm>> -> memref<1x5120xi32, #tpu.memory_space<hbm>>
    %dma_start3A_109 = tpu.memref_squeeze %dma_start3A_108 : memref<1x5120xi32, #tpu.memory_space<hbm>> -> memref<5120xi32, #tpu.memory_space<hbm>>
    %dma_start3A_110 = tpu.memref_slice %arg10[%mul3A_105] : memref<1312768xi32, #tpu.memory_space<vmem_shared>> -> memref<5120xi32, #tpu.memory_space<vmem_shared>>
    tpu.enqueue_dma source(%dma_start3A_110 : memref<5120xi32, #tpu.memory_space<vmem_shared>>) target(%dma_start3A_109 : memref<5120xi32, #tpu.memory_space<hbm>>) target_semaphore(%arg8 : memref<!tpu.dma_semaphore, #tpu.memory_space<semaphore_mem>>)
    %mul3A_111 = arith.constant 16 : i32
    %mul3A_112 = arith.muli %arg1, %mul3A_111 : i32
    %add3A_113 = arith.constant 8 : i32
    %add3A_114 = arith.addi %mul3A_112, %add3A_113 : i32
    %mul3A_115 = arith.constant 5120 : i32
    %mul3A_116 = arith.muli %add3A_114, %mul3A_115 : i32
    %mul3A_117 = arith.constant 5120 : i32
    %mul3A_118 = arith.muli %arg0, %mul3A_117 : i32
    %dma_start3A_119 = tpu.memref_slice %arg5[%add3A_114, %mul3A_118] : memref<256x10240xi32, #tpu.memory_space<hbm>> -> memref<1x5120xi32, #tpu.memory_space<hbm>>
    %dma_start3A_120 = tpu.memref_squeeze %dma_start3A_119 : memref<1x5120xi32, #tpu.memory_space<hbm>> -> memref<5120xi32, #tpu.memory_space<hbm>>
    %dma_start3A_121 = tpu.memref_slice %arg10[%mul3A_116] : memref<1312768xi32, #tpu.memory_space<vmem_shared>> -> memref<5120xi32, #tpu.memory_space<vmem_shared>>
    tpu.enqueue_dma source(%dma_start3A_121 : memref<5120xi32, #tpu.memory_space<vmem_shared>>) target(%dma_start3A_120 : memref<5120xi32, #tpu.memory_space<hbm>>) target_semaphore(%arg8 : memref<!tpu.dma_semaphore, #tpu.memory_space<semaphore_mem>>)
    %mul3A_122 = arith.constant 16 : i32
    %mul3A_123 = arith.muli %arg1, %mul3A_122 : i32
    %add3A_124 = arith.constant 9 : i32
    %add3A_125 = arith.addi %mul3A_123, %add3A_124 : i32
    %mul3A_126 = arith.constant 5120 : i32
    %mul3A_127 = arith.muli %add3A_125, %mul3A_126 : i32
    %mul3A_128 = arith.constant 5120 : i32
    %mul3A_129 = arith.muli %arg0, %mul3A_128 : i32
    %dma_start3A_130 = tpu.memref_slice %arg5[%add3A_125, %mul3A_129] : memref<256x10240xi32, #tpu.memory_space<hbm>> -> memref<1x5120xi32, #tpu.memory_space<hbm>>
    %dma_start3A_131 = tpu.memref_squeeze %dma_start3A_130 : memref<1x5120xi32, #tpu.memory_space<hbm>> -> memref<5120xi32, #tpu.memory_space<hbm>>
    %dma_start3A_132 = tpu.memref_slice %arg10[%mul3A_127] : memref<1312768xi32, #tpu.memory_space<vmem_shared>> -> memref<5120xi32, #tpu.memory_space<vmem_shared>>
    tpu.enqueue_dma source(%dma_start3A_132 : memref<5120xi32, #tpu.memory_space<vmem_shared>>) target(%dma_start3A_131 : memref<5120xi32, #tpu.memory_space<hbm>>) target_semaphore(%arg8 : memref<!tpu.dma_semaphore, #tpu.memory_space<semaphore_mem>>)
    %mul3A_133 = arith.constant 16 : i32
    %mul3A_134 = arith.muli %arg1, %mul3A_133 : i32
    %add3A_135 = arith.constant 10 : i32
    %add3A_136 = arith.addi %mul3A_134, %add3A_135 : i32
    %mul3A_137 = arith.constant 5120 : i32
    %mul3A_138 = arith.muli %add3A_136, %mul3A_137 : i32
    %mul3A_139 = arith.constant 5120 : i32
    %mul3A_140 = arith.muli %arg0, %mul3A_139 : i32
    %dma_start3A_141 = tpu.memref_slice %arg5[%add3A_136, %mul3A_140] : memref<256x10240xi32, #tpu.memory_space<hbm>> -> memref<1x5120xi32, #tpu.memory_space<hbm>>
    %dma_start3A_142 = tpu.memref_squeeze %dma_start3A_141 : memref<1x5120xi32, #tpu.memory_space<hbm>> -> memref<5120xi32, #tpu.memory_space<hbm>>
    %dma_start3A_143 = tpu.memref_slice %arg10[%mul3A_138] : memref<1312768xi32, #tpu.memory_space<vmem_shared>> -> memref<5120xi32, #tpu.memory_space<vmem_shared>>
    tpu.enqueue_dma source(%dma_start3A_143 : memref<5120xi32, #tpu.memory_space<vmem_shared>>) target(%dma_start3A_142 : memref<5120xi32, #tpu.memory_space<hbm>>) target_semaphore(%arg8 : memref<!tpu.dma_semaphore, #tpu.memory_space<semaphore_mem>>)
    %mul3A_144 = arith.constant 16 : i32
    %mul3A_145 = arith.muli %arg1, %mul3A_144 : i32
    %add3A_146 = arith.constant 11 : i32
    %add3A_147 = arith.addi %mul3A_145, %add3A_146 : i32
    %mul3A_148 = arith.constant 5120 : i32
    %mul3A_149 = arith.muli %add3A_147, %mul3A_148 : i32
    %mul3A_150 = arith.constant 5120 : i32
    %mul3A_151 = arith.muli %arg0, %mul3A_150 : i32
    %dma_start3A_152 = tpu.memref_slice %arg5[%add3A_147, %mul3A_151] : memref<256x10240xi32, #tpu.memory_space<hbm>> -> memref<1x5120xi32, #tpu.memory_space<hbm>>
    %dma_start3A_153 = tpu.memref_squeeze %dma_start3A_152 : memref<1x5120xi32, #tpu.memory_space<hbm>> -> memref<5120xi32, #tpu.memory_space<hbm>>
    %dma_start3A_154 = tpu.memref_slice %arg10[%mul3A_149] : memref<1312768xi32, #tpu.memory_space<vmem_shared>> -> memref<5120xi32, #tpu.memory_space<vmem_shared>>
    tpu.enqueue_dma source(%dma_start3A_154 : memref<5120xi32, #tpu.memory_space<vmem_shared>>) target(%dma_start3A_153 : memref<5120xi32, #tpu.memory_space<hbm>>) target_semaphore(%arg8 : memref<!tpu.dma_semaphore, #tpu.memory_space<semaphore_mem>>)
    %mul3A_155 = arith.constant 16 : i32
    %mul3A_156 = arith.muli %arg1, %mul3A_155 : i32
    %add3A_157 = arith.constant 12 : i32
    %add3A_158 = arith.addi %mul3A_156, %add3A_157 : i32
    %mul3A_159 = arith.constant 5120 : i32
    %mul3A_160 = arith.muli %add3A_158, %mul3A_159 : i32
    %mul3A_161 = arith.constant 5120 : i32
    %mul3A_162 = arith.muli %arg0, %mul3A_161 : i32
    %dma_start3A_163 = tpu.memref_slice %arg5[%add3A_158, %mul3A_162] : memref<256x10240xi32, #tpu.memory_space<hbm>> -> memref<1x5120xi32, #tpu.memory_space<hbm>>
    %dma_start3A_164 = tpu.memref_squeeze %dma_start3A_163 : memref<1x5120xi32, #tpu.memory_space<hbm>> -> memref<5120xi32, #tpu.memory_space<hbm>>
    %dma_start3A_165 = tpu.memref_slice %arg10[%mul3A_160] : memref<1312768xi32, #tpu.memory_space<vmem_shared>> -> memref<5120xi32, #tpu.memory_space<vmem_shared>>
    tpu.enqueue_dma source(%dma_start3A_165 : memref<5120xi32, #tpu.memory_space<vmem_shared>>) target(%dma_start3A_164 : memref<5120xi32, #tpu.memory_space<hbm>>) target_semaphore(%arg8 : memref<!tpu.dma_semaphore, #tpu.memory_space<semaphore_mem>>)
    %mul3A_166 = arith.constant 16 : i32
    %mul3A_167 = arith.muli %arg1, %mul3A_166 : i32
    %add3A_168 = arith.constant 13 : i32
    %add3A_169 = arith.addi %mul3A_167, %add3A_168 : i32
    %mul3A_170 = arith.constant 5120 : i32
    %mul3A_171 = arith.muli %add3A_169, %mul3A_170 : i32
    %mul3A_172 = arith.constant 5120 : i32
    %mul3A_173 = arith.muli %arg0, %mul3A_172 : i32
    %dma_start3A_174 = tpu.memref_slice %arg5[%add3A_169, %mul3A_173] : memref<256x10240xi32, #tpu.memory_space<hbm>> -> memref<1x5120xi32, #tpu.memory_space<hbm>>
    %dma_start3A_175 = tpu.memref_squeeze %dma_start3A_174 : memref<1x5120xi32, #tpu.memory_space<hbm>> -> memref<5120xi32, #tpu.memory_space<hbm>>
    %dma_start3A_176 = tpu.memref_slice %arg10[%mul3A_171] : memref<1312768xi32, #tpu.memory_space<vmem_shared>> -> memref<5120xi32, #tpu.memory_space<vmem_shared>>
    tpu.enqueue_dma source(%dma_start3A_176 : memref<5120xi32, #tpu.memory_space<vmem_shared>>) target(%dma_start3A_175 : memref<5120xi32, #tpu.memory_space<hbm>>) target_semaphore(%arg8 : memref<!tpu.dma_semaphore, #tpu.memory_space<semaphore_mem>>)
    %mul3A_177 = arith.constant 16 : i32
    %mul3A_178 = arith.muli %arg1, %mul3A_177 : i32
    %add3A_179 = arith.constant 14 : i32
    %add3A_180 = arith.addi %mul3A_178, %add3A_179 : i32
    %mul3A_181 = arith.constant 5120 : i32
    %mul3A_182 = arith.muli %add3A_180, %mul3A_181 : i32
    %mul3A_183 = arith.constant 5120 : i32
    %mul3A_184 = arith.muli %arg0, %mul3A_183 : i32
    %dma_start3A_185 = tpu.memref_slice %arg5[%add3A_180, %mul3A_184] : memref<256x10240xi32, #tpu.memory_space<hbm>> -> memref<1x5120xi32, #tpu.memory_space<hbm>>
    %dma_start3A_186 = tpu.memref_squeeze %dma_start3A_185 : memref<1x5120xi32, #tpu.memory_space<hbm>> -> memref<5120xi32, #tpu.memory_space<hbm>>
    %dma_start3A_187 = tpu.memref_slice %arg10[%mul3A_182] : memref<1312768xi32, #tpu.memory_space<vmem_shared>> -> memref<5120xi32, #tpu.memory_space<vmem_shared>>
    tpu.enqueue_dma source(%dma_start3A_187 : memref<5120xi32, #tpu.memory_space<vmem_shared>>) target(%dma_start3A_186 : memref<5120xi32, #tpu.memory_space<hbm>>) target_semaphore(%arg8 : memref<!tpu.dma_semaphore, #tpu.memory_space<semaphore_mem>>)
    %mul3A_188 = arith.constant 16 : i32
    %mul3A_189 = arith.muli %arg1, %mul3A_188 : i32
    %add3A_190 = arith.constant 15 : i32
    %add3A_191 = arith.addi %mul3A_189, %add3A_190 : i32
    %mul3A_192 = arith.constant 5120 : i32
    %mul3A_193 = arith.muli %add3A_191, %mul3A_192 : i32
    %mul3A_194 = arith.constant 5120 : i32
    %mul3A_195 = arith.muli %arg0, %mul3A_194 : i32
    %dma_start3A_196 = tpu.memref_slice %arg5[%add3A_191, %mul3A_195] : memref<256x10240xi32, #tpu.memory_space<hbm>> -> memref<1x5120xi32, #tpu.memory_space<hbm>>
    %dma_start3A_197 = tpu.memref_squeeze %dma_start3A_196 : memref<1x5120xi32, #tpu.memory_space<hbm>> -> memref<5120xi32, #tpu.memory_space<hbm>>
    %dma_start3A_198 = tpu.memref_slice %arg10[%mul3A_193] : memref<1312768xi32, #tpu.memory_space<vmem_shared>> -> memref<5120xi32, #tpu.memory_space<vmem_shared>>
    tpu.enqueue_dma source(%dma_start3A_198 : memref<5120xi32, #tpu.memory_space<vmem_shared>>) target(%dma_start3A_197 : memref<5120xi32, #tpu.memory_space<hbm>>) target_semaphore(%arg8 : memref<!tpu.dma_semaphore, #tpu.memory_space<semaphore_mem>>)
    %dma_wait3A_199 = tpu.memref_slice %arg5[%add3A_26, %mul3A_30] : memref<256x10240xi32, #tpu.memory_space<hbm>> -> memref<1x5120xi32, #tpu.memory_space<hbm>>
    %dma_wait3A_200 = tpu.memref_squeeze %dma_wait3A_199 : memref<1x5120xi32, #tpu.memory_space<hbm>> -> memref<5120xi32, #tpu.memory_space<hbm>>
    %dma_wait3A_201 = tpu.memref_slice %arg10[%mul3A_28] : memref<1312768xi32, #tpu.memory_space<vmem_shared>> -> memref<5120xi32, #tpu.memory_space<vmem_shared>>
    tpu.wait_dma2 semaphore(%arg8 : memref<!tpu.dma_semaphore, #tpu.memory_space<semaphore_mem>>) src(%dma_wait3A_201 : memref<5120xi32, #tpu.memory_space<vmem_shared>>) dst(%dma_wait3A_200 : memref<5120xi32, #tpu.memory_space<hbm>>)
    %dma_wait3A_202 = tpu.memref_slice %arg5[%add3A_37, %mul3A_41] : memref<256x10240xi32, #tpu.memory_space<hbm>> -> memref<1x5120xi32, #tpu.memory_space<hbm>>
    %dma_wait3A_203 = tpu.memref_squeeze %dma_wait3A_202 : memref<1x5120xi32, #tpu.memory_space<hbm>> -> memref<5120xi32, #tpu.memory_space<hbm>>
    %dma_wait3A_204 = tpu.memref_slice %arg10[%mul3A_39] : memref<1312768xi32, #tpu.memory_space<vmem_shared>> -> memref<5120xi32, #tpu.memory_space<vmem_shared>>
    tpu.wait_dma2 semaphore(%arg8 : memref<!tpu.dma_semaphore, #tpu.memory_space<semaphore_mem>>) src(%dma_wait3A_204 : memref<5120xi32, #tpu.memory_space<vmem_shared>>) dst(%dma_wait3A_203 : memref<5120xi32, #tpu.memory_space<hbm>>)
    %dma_wait3A_205 = tpu.memref_slice %arg5[%add3A_48, %mul3A_52] : memref<256x10240xi32, #tpu.memory_space<hbm>> -> memref<1x5120xi32, #tpu.memory_space<hbm>>
    %dma_wait3A_206 = tpu.memref_squeeze %dma_wait3A_205 : memref<1x5120xi32, #tpu.memory_space<hbm>> -> memref<5120xi32, #tpu.memory_space<hbm>>
    %dma_wait3A_207 = tpu.memref_slice %arg10[%mul3A_50] : memref<1312768xi32, #tpu.memory_space<vmem_shared>> -> memref<5120xi32, #tpu.memory_space<vmem_shared>>
    tpu.wait_dma2 semaphore(%arg8 : memref<!tpu.dma_semaphore, #tpu.memory_space<semaphore_mem>>) src(%dma_wait3A_207 : memref<5120xi32, #tpu.memory_space<vmem_shared>>) dst(%dma_wait3A_206 : memref<5120xi32, #tpu.memory_space<hbm>>)
    %dma_wait3A_208 = tpu.memref_slice %arg5[%add3A_59, %mul3A_63] : memref<256x10240xi32, #tpu.memory_space<hbm>> -> memref<1x5120xi32, #tpu.memory_space<hbm>>
    %dma_wait3A_209 = tpu.memref_squeeze %dma_wait3A_208 : memref<1x5120xi32, #tpu.memory_space<hbm>> -> memref<5120xi32, #tpu.memory_space<hbm>>
    %dma_wait3A_210 = tpu.memref_slice %arg10[%mul3A_61] : memref<1312768xi32, #tpu.memory_space<vmem_shared>> -> memref<5120xi32, #tpu.memory_space<vmem_shared>>
    tpu.wait_dma2 semaphore(%arg8 : memref<!tpu.dma_semaphore, #tpu.memory_space<semaphore_mem>>) src(%dma_wait3A_210 : memref<5120xi32, #tpu.memory_space<vmem_shared>>) dst(%dma_wait3A_209 : memref<5120xi32, #tpu.memory_space<hbm>>)
    %dma_wait3A_211 = tpu.memref_slice %arg5[%add3A_70, %mul3A_74] : memref<256x10240xi32, #tpu.memory_space<hbm>> -> memref<1x5120xi32, #tpu.memory_space<hbm>>
    %dma_wait3A_212 = tpu.memref_squeeze %dma_wait3A_211 : memref<1x5120xi32, #tpu.memory_space<hbm>> -> memref<5120xi32, #tpu.memory_space<hbm>>
    %dma_wait3A_213 = tpu.memref_slice %arg10[%mul3A_72] : memref<1312768xi32, #tpu.memory_space<vmem_shared>> -> memref<5120xi32, #tpu.memory_space<vmem_shared>>
    tpu.wait_dma2 semaphore(%arg8 : memref<!tpu.dma_semaphore, #tpu.memory_space<semaphore_mem>>) src(%dma_wait3A_213 : memref<5120xi32, #tpu.memory_space<vmem_shared>>) dst(%dma_wait3A_212 : memref<5120xi32, #tpu.memory_space<hbm>>)
    %dma_wait3A_214 = tpu.memref_slice %arg5[%add3A_81, %mul3A_85] : memref<256x10240xi32, #tpu.memory_space<hbm>> -> memref<1x5120xi32, #tpu.memory_space<hbm>>
    %dma_wait3A_215 = tpu.memref_squeeze %dma_wait3A_214 : memref<1x5120xi32, #tpu.memory_space<hbm>> -> memref<5120xi32, #tpu.memory_space<hbm>>
    %dma_wait3A_216 = tpu.memref_slice %arg10[%mul3A_83] : memref<1312768xi32, #tpu.memory_space<vmem_shared>> -> memref<5120xi32, #tpu.memory_space<vmem_shared>>
    tpu.wait_dma2 semaphore(%arg8 : memref<!tpu.dma_semaphore, #tpu.memory_space<semaphore_mem>>) src(%dma_wait3A_216 : memref<5120xi32, #tpu.memory_space<vmem_shared>>) dst(%dma_wait3A_215 : memref<5120xi32, #tpu.memory_space<hbm>>)
    %dma_wait3A_217 = tpu.memref_slice %arg5[%add3A_92, %mul3A_96] : memref<256x10240xi32, #tpu.memory_space<hbm>> -> memref<1x5120xi32, #tpu.memory_space<hbm>>
    %dma_wait3A_218 = tpu.memref_squeeze %dma_wait3A_217 : memref<1x5120xi32, #tpu.memory_space<hbm>> -> memref<5120xi32, #tpu.memory_space<hbm>>
    %dma_wait3A_219 = tpu.memref_slice %arg10[%mul3A_94] : memref<1312768xi32, #tpu.memory_space<vmem_shared>> -> memref<5120xi32, #tpu.memory_space<vmem_shared>>
    tpu.wait_dma2 semaphore(%arg8 : memref<!tpu.dma_semaphore, #tpu.memory_space<semaphore_mem>>) src(%dma_wait3A_219 : memref<5120xi32, #tpu.memory_space<vmem_shared>>) dst(%dma_wait3A_218 : memref<5120xi32, #tpu.memory_space<hbm>>)
    %dma_wait3A_220 = tpu.memref_slice %arg5[%add3A_103, %mul3A_107] : memref<256x10240xi32, #tpu.memory_space<hbm>> -> memref<1x5120xi32, #tpu.memory_space<hbm>>
    %dma_wait3A_221 = tpu.memref_squeeze %dma_wait3A_220 : memref<1x5120xi32, #tpu.memory_space<hbm>> -> memref<5120xi32, #tpu.memory_space<hbm>>
    %dma_wait3A_222 = tpu.memref_slice %arg10[%mul3A_105] : memref<1312768xi32, #tpu.memory_space<vmem_shared>> -> memref<5120xi32, #tpu.memory_space<vmem_shared>>
    tpu.wait_dma2 semaphore(%arg8 : memref<!tpu.dma_semaphore, #tpu.memory_space<semaphore_mem>>) src(%dma_wait3A_222 : memref<5120xi32, #tpu.memory_space<vmem_shared>>) dst(%dma_wait3A_221 : memref<5120xi32, #tpu.memory_space<hbm>>)
    %dma_wait3A_223 = tpu.memref_slice %arg5[%add3A_114, %mul3A_118] : memref<256x10240xi32, #tpu.memory_space<hbm>> -> memref<1x5120xi32, #tpu.memory_space<hbm>>
    %dma_wait3A_224 = tpu.memref_squeeze %dma_wait3A_223 : memref<1x5120xi32, #tpu.memory_space<hbm>> -> memref<5120xi32, #tpu.memory_space<hbm>>
    %dma_wait3A_225 = tpu.memref_slice %arg10[%mul3A_116] : memref<1312768xi32, #tpu.memory_space<vmem_shared>> -> memref<5120xi32, #tpu.memory_space<vmem_shared>>
    tpu.wait_dma2 semaphore(%arg8 : memref<!tpu.dma_semaphore, #tpu.memory_space<semaphore_mem>>) src(%dma_wait3A_225 : memref<5120xi32, #tpu.memory_space<vmem_shared>>) dst(%dma_wait3A_224 : memref<5120xi32, #tpu.memory_space<hbm>>)
    %dma_wait3A_226 = tpu.memref_slice %arg5[%add3A_125, %mul3A_129] : memref<256x10240xi32, #tpu.memory_space<hbm>> -> memref<1x5120xi32, #tpu.memory_space<hbm>>
    %dma_wait3A_227 = tpu.memref_squeeze %dma_wait3A_226 : memref<1x5120xi32, #tpu.memory_space<hbm>> -> memref<5120xi32, #tpu.memory_space<hbm>>
    %dma_wait3A_228 = tpu.memref_slice %arg10[%mul3A_127] : memref<1312768xi32, #tpu.memory_space<vmem_shared>> -> memref<5120xi32, #tpu.memory_space<vmem_shared>>
    tpu.wait_dma2 semaphore(%arg8 : memref<!tpu.dma_semaphore, #tpu.memory_space<semaphore_mem>>) src(%dma_wait3A_228 : memref<5120xi32, #tpu.memory_space<vmem_shared>>) dst(%dma_wait3A_227 : memref<5120xi32, #tpu.memory_space<hbm>>)
    %dma_wait3A_229 = tpu.memref_slice %arg5[%add3A_136, %mul3A_140] : memref<256x10240xi32, #tpu.memory_space<hbm>> -> memref<1x5120xi32, #tpu.memory_space<hbm>>
    %dma_wait3A_230 = tpu.memref_squeeze %dma_wait3A_229 : memref<1x5120xi32, #tpu.memory_space<hbm>> -> memref<5120xi32, #tpu.memory_space<hbm>>
    %dma_wait3A_231 = tpu.memref_slice %arg10[%mul3A_138] : memref<1312768xi32, #tpu.memory_space<vmem_shared>> -> memref<5120xi32, #tpu.memory_space<vmem_shared>>
    tpu.wait_dma2 semaphore(%arg8 : memref<!tpu.dma_semaphore, #tpu.memory_space<semaphore_mem>>) src(%dma_wait3A_231 : memref<5120xi32, #tpu.memory_space<vmem_shared>>) dst(%dma_wait3A_230 : memref<5120xi32, #tpu.memory_space<hbm>>)
    %dma_wait3A_232 = tpu.memref_slice %arg5[%add3A_147, %mul3A_151] : memref<256x10240xi32, #tpu.memory_space<hbm>> -> memref<1x5120xi32, #tpu.memory_space<hbm>>
    %dma_wait3A_233 = tpu.memref_squeeze %dma_wait3A_232 : memref<1x5120xi32, #tpu.memory_space<hbm>> -> memref<5120xi32, #tpu.memory_space<hbm>>
    %dma_wait3A_234 = tpu.memref_slice %arg10[%mul3A_149] : memref<1312768xi32, #tpu.memory_space<vmem_shared>> -> memref<5120xi32, #tpu.memory_space<vmem_shared>>
    tpu.wait_dma2 semaphore(%arg8 : memref<!tpu.dma_semaphore, #tpu.memory_space<semaphore_mem>>) src(%dma_wait3A_234 : memref<5120xi32, #tpu.memory_space<vmem_shared>>) dst(%dma_wait3A_233 : memref<5120xi32, #tpu.memory_space<hbm>>)
    %dma_wait3A_235 = tpu.memref_slice %arg5[%add3A_158, %mul3A_162] : memref<256x10240xi32, #tpu.memory_space<hbm>> -> memref<1x5120xi32, #tpu.memory_space<hbm>>
    %dma_wait3A_236 = tpu.memref_squeeze %dma_wait3A_235 : memref<1x5120xi32, #tpu.memory_space<hbm>> -> memref<5120xi32, #tpu.memory_space<hbm>>
    %dma_wait3A_237 = tpu.memref_slice %arg10[%mul3A_160] : memref<1312768xi32, #tpu.memory_space<vmem_shared>> -> memref<5120xi32, #tpu.memory_space<vmem_shared>>
    tpu.wait_dma2 semaphore(%arg8 : memref<!tpu.dma_semaphore, #tpu.memory_space<semaphore_mem>>) src(%dma_wait3A_237 : memref<5120xi32, #tpu.memory_space<vmem_shared>>) dst(%dma_wait3A_236 : memref<5120xi32, #tpu.memory_space<hbm>>)
    %dma_wait3A_238 = tpu.memref_slice %arg5[%add3A_169, %mul3A_173] : memref<256x10240xi32, #tpu.memory_space<hbm>> -> memref<1x5120xi32, #tpu.memory_space<hbm>>
    %dma_wait3A_239 = tpu.memref_squeeze %dma_wait3A_238 : memref<1x5120xi32, #tpu.memory_space<hbm>> -> memref<5120xi32, #tpu.memory_space<hbm>>
    %dma_wait3A_240 = tpu.memref_slice %arg10[%mul3A_171] : memref<1312768xi32, #tpu.memory_space<vmem_shared>> -> memref<5120xi32, #tpu.memory_space<vmem_shared>>
    tpu.wait_dma2 semaphore(%arg8 : memref<!tpu.dma_semaphore, #tpu.memory_space<semaphore_mem>>) src(%dma_wait3A_240 : memref<5120xi32, #tpu.memory_space<vmem_shared>>) dst(%dma_wait3A_239 : memref<5120xi32, #tpu.memory_space<hbm>>)
    %dma_wait3A_241 = tpu.memref_slice %arg5[%add3A_180, %mul3A_184] : memref<256x10240xi32, #tpu.memory_space<hbm>> -> memref<1x5120xi32, #tpu.memory_space<hbm>>
    %dma_wait3A_242 = tpu.memref_squeeze %dma_wait3A_241 : memref<1x5120xi32, #tpu.memory_space<hbm>> -> memref<5120xi32, #tpu.memory_space<hbm>>
    %dma_wait3A_243 = tpu.memref_slice %arg10[%mul3A_182] : memref<1312768xi32, #tpu.memory_space<vmem_shared>> -> memref<5120xi32, #tpu.memory_space<vmem_shared>>
    tpu.wait_dma2 semaphore(%arg8 : memref<!tpu.dma_semaphore, #tpu.memory_space<semaphore_mem>>) src(%dma_wait3A_243 : memref<5120xi32, #tpu.memory_space<vmem_shared>>) dst(%dma_wait3A_242 : memref<5120xi32, #tpu.memory_space<hbm>>)
    %dma_wait3A_244 = tpu.memref_slice %arg5[%add3A_191, %mul3A_195] : memref<256x10240xi32, #tpu.memory_space<hbm>> -> memref<1x5120xi32, #tpu.memory_space<hbm>>
    %dma_wait3A_245 = tpu.memref_squeeze %dma_wait3A_244 : memref<1x5120xi32, #tpu.memory_space<hbm>> -> memref<5120xi32, #tpu.memory_space<hbm>>
    %dma_wait3A_246 = tpu.memref_slice %arg10[%mul3A_193] : memref<1312768xi32, #tpu.memory_space<vmem_shared>> -> memref<5120xi32, #tpu.memory_space<vmem_shared>>
    tpu.wait_dma2 semaphore(%arg8 : memref<!tpu.dma_semaphore, #tpu.memory_space<semaphore_mem>>) src(%dma_wait3A_246 : memref<5120xi32, #tpu.memory_space<vmem_shared>>) dst(%dma_wait3A_245 : memref<5120xi32, #tpu.memory_space<hbm>>)
    return
  }
}

module attributes {stable_mosaic.version = 14 : i64} {
  func.func @_tc_dense_body(%arg0: i32, %arg1: memref<2560x128xf32, #tpu.memory_space<vmem>>, %arg2: memref<256x2560xi32, #tpu.memory_space<vmem>>, %arg3: memref<512x128xf32, #tpu.memory_space<vmem>>, %arg4: memref<128x512xf32, #tpu.memory_space<vmem>>, %arg5: memref<128x128xf32, #tpu.memory_space<vmem>>, %arg6: memref<2560x128xf32, #tpu.memory_space<vmem>>) attributes {dimension_semantics = [#tpu.dimension_semantics<arbitrary>], iteration_bounds = array<i64: 4>, scalar_prefetch = 0 : i64, scratch_operands = 0 : i64, tpu.core_type = #tpu.core_type<tc>, window_params = [{transform_indices = @transform_0, window_bounds = array<i64: 2560, 128>}, {transform_indices = @transform_1, window_bounds = array<i64: 256, 2560>}, {pipeline_mode = #tpu.pipeline_mode<synchronous>, transform_indices = @transform_2, window_bounds = array<i64: 512, 128>}, {pipeline_mode = #tpu.pipeline_mode<synchronous>, transform_indices = @transform_3, window_bounds = array<i64: 128, 512>}, {pipeline_mode = #tpu.pipeline_mode<synchronous>, transform_indices = @transform_4, window_bounds = array<i64: 128, 128>}, {transform_indices = @transform_5, window_bounds = array<i64: 2560, 128>}]} {
    %get3A = arith.constant 0 : index
    %get3A_0 = arith.constant 0 : index
    %get3A_1 = vector.load %arg1[%get3A, %get3A_0] : memref<2560x128xf32, #tpu.memory_space<vmem>>, vector<2560x128xf32>
    %get3A_2 = arith.constant 0 : index
    %get3A_3 = arith.constant 0 : index
    %get3A_4 = vector.load %arg3[%get3A_2, %get3A_3] : memref<512x128xf32, #tpu.memory_space<vmem>>, vector<512x128xf32>
    %dot_general3A = arith.constant dense<0.000000e+00> : vector<512x2560xf32>
    %dot_general3A_5 = tpu.matmul %get3A_4, %get3A_1, %dot_general3A {dimension_numbers = #tpu.dot_dimension_numbers<[1], [1], [0], [0], [0, 0, 1, 0], [], []>, precision = #tpu.contract_precision<fp32>, transpose_lhs_hint = false} : vector<512x128xf32>, vector<2560x128xf32>, vector<512x2560xf32> -> vector<512x2560xf32>
    %get3A_6 = arith.constant 0 : index
    %get3A_7 = arith.constant 0 : index
    %get3A_8 = vector.load %arg2[%get3A_6, %get3A_7] : memref<256x2560xi32, #tpu.memory_space<vmem>>, vector<256x2560xi32>
    %and3A = arith.constant 65535 : i32
    %and3A_9 = vector.broadcast %and3A : i32 to vector<256x2560xi32>
    %and3A_10 = arith.andi %get3A_8, %and3A_9 : vector<256x2560xi32>
    %shift_right_logical3A = arith.constant 16 : i32
    %shift_right_logical3A_11 = vector.broadcast %shift_right_logical3A : i32 to vector<256x2560xi32>
    %shift_right_logical3A_12 = arith.shrui %get3A_8, %shift_right_logical3A_11 : vector<256x2560xi32>
    %concatenate3A = tpu.concatenate %and3A_10, %shift_right_logical3A_12 in 0 : vector<256x2560xi32>, vector<256x2560xi32> -> vector<512x2560xi32>
    %convert_element_type3A = arith.sitofp %concatenate3A : vector<512x2560xi32> to vector<512x2560xf32>
    %gt3A = arith.constant 0.000000e+00 : f32
    %gt3A_13 = vector.broadcast %gt3A : f32 to vector<512x2560xf32>
    %gt3A_14 = arith.cmpf ogt, %convert_element_type3A, %gt3A_13 : vector<512x2560xf32>
    %jit3A = arith.constant 0xFF800000 : f32
    %broadcast_in_dim3A = vector.broadcast %jit3A : f32 to vector<512x2560xf32>
    %select_n3A = arith.select %gt3A_14, %dot_general3A_5, %broadcast_in_dim3A : vector<512x2560xi1>, vector<512x2560xf32>
    %reduce_max3A = arith.constant dense<0xFF800000> : vector<2560xf32>
    %reduce_max3A_15 = vector.multi_reduction <maximumf>, %select_n3A, %reduce_max3A [0] : vector<512x2560xf32> to vector<2560xf32>
    %broadcast_in_dim3A_16 = vector.shape_cast %reduce_max3A_15 : vector<2560xf32> to vector<1x2560xf32>
    %sub3A = vector.broadcast %broadcast_in_dim3A_16 : vector<1x2560xf32> to vector<512x2560xf32>
    %sub3A_17 = arith.subf %dot_general3A_5, %sub3A : vector<512x2560xf32>
    %min3A = arith.constant 0.000000e+00 : f32
    %min3A_18 = vector.broadcast %min3A : f32 to vector<512x2560xf32>
    %min3A_19 = arith.minimumf %sub3A_17, %min3A_18 : vector<512x2560xf32>
    %exp3A = math.exp %min3A_19 : vector<512x2560xf32>
    %mul3A = arith.mulf %convert_element_type3A, %exp3A : vector<512x2560xf32>
    %reduce_sum3A = arith.constant dense<0.000000e+00> : vector<2560xf32>
    %reduce_sum3A_20 = vector.multi_reduction <add>, %mul3A, %reduce_sum3A [0] : vector<512x2560xf32> to vector<2560xf32>
    %broadcast_in_dim3A_21 = vector.shape_cast %reduce_sum3A_20 : vector<2560xf32> to vector<1x2560xf32>
    %gt3A_22 = arith.constant 0.000000e+00 : f32
    %gt3A_23 = vector.broadcast %gt3A_22 : f32 to vector<1x2560xf32>
    %gt3A_24 = arith.cmpf ogt, %broadcast_in_dim3A_21, %gt3A_23 : vector<1x2560xf32>
    %div3A = arith.constant 1.000000e+00 : f32
    %div3A_25 = vector.broadcast %div3A : f32 to vector<1x2560xf32>
    %div3A_26 = arith.divf %div3A_25, %broadcast_in_dim3A_21 : vector<1x2560xf32>
    %jit3A_27 = arith.constant 0.000000e+00 : f32
    %broadcast_in_dim3A_28 = vector.broadcast %jit3A_27 : f32 to vector<1x2560xf32>
    %select_n3A_29 = arith.select %gt3A_24, %div3A_26, %broadcast_in_dim3A_28 : vector<1x2560xi1>, vector<1x2560xf32>
    %mul3A_30 = vector.broadcast %select_n3A_29 : vector<1x2560xf32> to vector<512x2560xf32>
    %mul3A_31 = arith.mulf %mul3A, %mul3A_30 : vector<512x2560xf32>
    %get3A_32 = arith.constant 0 : index
    %get3A_33 = arith.constant 0 : index
    %get3A_34 = vector.load %arg4[%get3A_32, %get3A_33] : memref<128x512xf32, #tpu.memory_space<vmem>>, vector<128x512xf32>
    %dot_general3A_35 = arith.constant dense<0.000000e+00> : vector<128x2560xf32>
    %dot_general3A_36 = tpu.matmul %get3A_34, %mul3A_31, %dot_general3A_35 {dimension_numbers = #tpu.dot_dimension_numbers<[1], [0], [0], [1], [0, 0, 1, 1], [], []>, precision = #tpu.contract_precision<fp32>, transpose_lhs_hint = false} : vector<128x512xf32>, vector<512x2560xf32>, vector<128x2560xf32> -> vector<128x2560xf32>
    %get3A_37 = arith.constant 0 : index
    %get3A_38 = arith.constant 0 : index
    %get3A_39 = vector.load %arg5[%get3A_37, %get3A_38] : memref<128x128xf32, #tpu.memory_space<vmem>>, vector<128x128xf32>
    %dot_general3A_40 = arith.constant dense<0.000000e+00> : vector<2560x128xf32>
    %dot_general3A_41 = tpu.matmul %dot_general3A_36, %get3A_39, %dot_general3A_40 {dimension_numbers = #tpu.dot_dimension_numbers<[0], [0], [1], [1], [0, 1, 1, 1], [], []>, precision = #tpu.contract_precision<fp32>, transpose_lhs_hint = false} : vector<128x2560xf32>, vector<128x128xf32>, vector<2560x128xf32> -> vector<2560x128xf32>
    %tanh3A = math.tanh %dot_general3A_41 : vector<2560x128xf32>
    %swap3A = arith.constant 0 : index
    %swap3A_42 = arith.constant 0 : index
    %swap3A_43 = vector.load %arg6[%swap3A, %swap3A_42] : memref<2560x128xf32, #tpu.memory_space<vmem>>, vector<2560x128xf32>
    tpu.vector_store %arg6[%swap3A, %swap3A_42], %tanh3A {strides = array<i32>} : memref<2560x128xf32, #tpu.memory_space<vmem>>, vector<2560x128xf32>,
    return
  }
  func.func @transform_0(%arg0: i32) -> (i32, i32) {
    %c0_i32 = arith.constant 0 : i32
    %c0_i32_0 = arith.constant 0 : i32
    return %arg0, %c0_i32 : i32, i32
  }
  func.func @transform_1(%arg0: i32) -> (i32, i32) {
    %c0_i32 = arith.constant 0 : i32
    %c0_i32_0 = arith.constant 0 : i32
    return %c0_i32, %arg0 : i32, i32
  }
  func.func @transform_2(%arg0: i32) -> (i32, i32) {
    %c0_i32 = arith.constant 0 : i32
    %c0_i32_0 = arith.constant 0 : i32
    %c0_i32_1 = arith.constant 0 : i32
    return %c0_i32, %c0_i32_0 : i32, i32
  }
  func.func @transform_3(%arg0: i32) -> (i32, i32) {
    %c0_i32 = arith.constant 0 : i32
    %c0_i32_0 = arith.constant 0 : i32
    %c0_i32_1 = arith.constant 0 : i32
    return %c0_i32, %c0_i32_0 : i32, i32
  }
  func.func @transform_4(%arg0: i32) -> (i32, i32) {
    %c0_i32 = arith.constant 0 : i32
    %c0_i32_0 = arith.constant 0 : i32
    %c0_i32_1 = arith.constant 0 : i32
    return %c0_i32, %c0_i32_0 : i32, i32
  }
  func.func @transform_5(%arg0: i32) -> (i32, i32) {
    %c0_i32 = arith.constant 0 : i32
    %c0_i32_0 = arith.constant 0 : i32
    return %arg0, %c0_i32 : i32, i32
  }
}

</mosaic_0001>

<sc_bundles>
// kernel: kernel.4.cloned.1.call-start
scs
__scs_entry_jumppad:
0x0: {  	(pc) =	sbr.rel $0x88, $3  }
0x1: {  	(tag) =	ssettag $0x0;
	lr =	simm.s32 $0x1  }
0x2: {  	[smem:$0x3F9C] =	sst lr;
	_ =	strace $0xD0000000  }
0x3: {  	_ = 	snop  }
0x4: {  	_ = 	snop  }
0x5: {  	_ = 	snop  }
0x6: {  	_ = 	snop  }
0x7: {  	_ = 	snop  }
__scs_overlays_trampoline_lowered:
0x8: {  	[smem:$0x3FAB] =	sst s0  }
0x9: {  	[smem:$0x3FAC] =	sst s1  }
0xa: {  	[smem:$0x3FAD] =	sst s2  }
0xb: {  	[smem:$0x3FAE] =	sst s3  }
0xc: {  	[smem:$0x3FAF] =	sst s4  }
0xd: {  	[smem:$0x3FB0] =	sst s5  }
0xe: {  	[smem:$0x3FB1] =	sst s6  }
0xf: {  	[smem:$0x3FB2] =	sst s7  }
0x10: {  	[smem:$0x3FB3] =	sst s8  }
0x11: {  	[smem:$0x3FB4] =	sst s9;
	s0 =	simm.s32 @!p0 $0x0  }
0x12: {  	s1 =	sld [smem:$0x3F9A];
	s0 =	simm.s32 @p0 $0x1  }
0x13: {  	[smem:$0x3FB5] =	sst s0;
	s0 =	simm.s32 @!p1 $0x0  }
0x14: {  	s2 =	sld [smem:$0x3F99];
	s0 =	simm.s32 @p1 $0x1  }
0x15: {  	[smem:$0x3FB6] =	sst s0;
	s0 =	simm.s32 @!p2 $0x0  }
0x16: {  	s3 =	sld [smem:$0x3FDB];
	s0 =	simm.s32 @p2 $0x1  }
0x17: {  	s4 =	simm.s32 $0x1BF5;
	[smem:$0x3FB8] =	sst s0  }
0x18: {  	s0 =	sld [smem:$0x3F9B];
	_ =	swait.ge [sflag:s4], $0x0  }
0x19: {  	s7 =	sld [smem:$0x3F9C]  }
0x1a: {  	s8 =	sadd.s32 $0xFFFFE003, lr  }
0x1b: {  	s9 =	sadd.s32 $0xFFFFFEF7, lr;
	s5 =	simm.s32 $0xFFFFFFFF;
	p2 =	slt.u32 s8, $0xFFFFF086  }
0x1c: {  	p1 =	slt.u32 s9, $0xF7A;
	s5 =	simm.s32 @!p2 $0x0  }
0x1d: {  	s5 =	simm.s32 @p1 $0x1;
	p0 =	seq.s32 s7, s2  }
0x1e: {  	s7 =	smul.u32 @!p0 $0xF7A, s2;
	p2 =	seq.s32 @!p0 s5, $0x0  }
0x1f: {  	s9 =	smul.u32 $0xF7A, s1;
	s8 =	simm.s32 @!p0 $0x1BF5;
	p2 =	por !p2, p0  }
0x20: {  	[sflag:s8] =	ssyncset.s32 @!p0 $0xFFFFF086;
	s6 =	sadd.s32 @!p0 s3, s7;
	s7 =	simm.s32 @!p0 $0x108  }
0x21: {  	s3 =	sadd.s32 s3, s9;
	s6 =	sadd.s32 @!p0 $0x88, s6;
	s7 =	simm.s32 @p2 $0x1082  }
0x22: {  	[simem:s7], [sflag:s8] =	dma.local @!p0 [hbm:s6], $0xF7A  }
0x23: {  	s9 =	sor.u32 $0xD0000000, s2;
	s6 =	simm.s32 $0x108;
	_ =	swait.ge @!p0 [sflag:s8], $0x0  }
0x24: {  	s3 =	sadd.s32 $0x88, s3;
	s6 =	simm.s32 @!p1 $0x1082;
	[sflag:s4] =	ssyncset.s32 $0xFFFFF086  }
0x25: {  	[simem:s6], [sflag:s4] =	dma.local [hbm:s3], $0xF7A  }
0x26: {  	[smem:$0x3F9C] =	sst s1;
	(tag) =	ssettag s2;
	_ =	strace s9  }
0x27: {  	s1 =	sld [smem:$0x3FAC]  }
0x28: {  	s2 =	sld [smem:$0x3FAD]  }
0x29: {  	s4 =	sld [smem:$0x3FAF]  }
0x2a: {  	p0 =	seq.s32 s5, $0x0;
	s5 =	sld [smem:$0x3FB0]  }
0x2b: {  	s6 =	sld [smem:$0x3FB1]  }
0x2c: {  	s7 =	sld [smem:$0x3FB2]  }
0x2d: {  	s3 =	simm.s32 $0x108;
	s8 =	sld [smem:$0x3FB3]  }
0x2e: {  	s3 =	simm.s32 @!p0 $0x1082;
	s9 =	sld [smem:$0x3FB4]  }
0x2f: {  	lr =	sadd.s32 s0, s3;
	s0 =	sld [smem:$0x3FAB]  }
0x30: {  	s3 =	sld [smem:$0x3FAE]  }
0x31: {  	[smem:$0x3FB7] =	sst s10  }
0x32: {  	s10 =	sld [smem:$0x3FB5];
	_ =	sdelay $0x3  }
0x33: {  	p0 =	seq.s32 s10, $0x1;
	s10 =	sld [smem:$0x3FB7];
	_ =	sdelay $0x3  }
0x34: {  	[smem:$0x3FB7] =	sst s10  }
0x35: {  	s10 =	sld [smem:$0x3FB6];
	_ =	sdelay $0x3  }
0x36: {  	p1 =	seq.s32 s10, $0x1;
	s10 =	sld [smem:$0x3FB7];
	_ =	sdelay $0x3  }
0x37: {  	[smem:$0x3FB7] =	sst s10  }
0x38: {  	s10 =	sld [smem:$0x3FB8]  }
0x39: {  	_ = 	snop;
	(pc) =	sbr.ind lr, $3  }
0x3a: {  	_ = 	snop  }
0x3b: {  	_ = 	snop  }
0x3c: {  	p2 =	seq.s32 s10, $0x1;
	s10 =	sld [smem:$0x3FB7]  }
0x3d: {  	_ =	shalt  }
0x3e: {  	_ =	shalt  }
0x3f: {  	_ =	shalt  }
0x40: {  	_ =	shalt  }
0x41: {  	_ =	shalt  }
0x42: {  	_ =	shalt  }
0x43: {  	_ =	shalt  }
0x44: {  	_ =	shalt  }
0x45: {  	_ =	shalt  }
0x46: {  	_ =	shalt  }
0x47: {  	_ =	shalt  }
0x48: {  	_ =	shalt  }
0x49: {  	_ =	shalt  }
0x4a: {  	_ =	shalt  }
0x4b: {  	_ =	shalt  }
0x4c: {  	_ =	shalt  }
0x4d: {  	_ =	shalt  }
0x4e: {  	_ =	shalt  }
0x4f: {  	_ =	shalt  }
0x50: {  	_ =	shalt  }
0x51: {  	_ =	shalt  }
0x52: {  	_ =	shalt  }
0x53: {  	_ =	shalt  }
0x54: {  	_ =	shalt  }
0x55: {  	_ =	shalt  }
0x56: {  	_ =	shalt  }
0x57: {  	_ =	shalt  }
0x58: {  	_ =	shalt  }
0x59: {  	_ =	shalt  }
0x5a: {  	_ =	shalt  }
0x5b: {  	_ =	shalt  }
0x5c: {  	_ =	shalt  }
0x5d: {  	_ =	shalt  }
0x5e: {  	_ =	shalt  }
0x5f: {  	_ =	shalt  }
0x60: {  	_ =	shalt  }
0x61: {  	_ =	shalt  }
0x62: {  	_ =	shalt  }
0x63: {  	_ =	shalt  }
0x64: {  	_ =	shalt  }
0x65: {  	_ =	shalt  }
0x66: {  	_ =	shalt  }
0x67: {  	_ =	shalt  }
0x68: {  	_ =	shalt  }
0x69: {  	_ =	shalt  }
0x6a: {  	_ =	shalt  }
0x6b: {  	_ =	shalt  }
0x6c: {  	_ =	shalt  }
0x6d: {  	_ =	shalt  }
0x6e: {  	_ =	shalt  }
0x6f: {  	_ =	shalt  }
0x70: {  	_ =	shalt  }
0x71: {  	_ =	shalt  }
0x72: {  	_ =	shalt  }
0x73: {  	_ =	shalt  }
0x74: {  	_ =	shalt  }
0x75: {  	_ =	shalt  }
0x76: {  	_ =	shalt  }
0x77: {  	_ =	shalt  }
0x78: {  	_ =	shalt  }
0x79: {  	_ =	shalt  }
0x7a: {  	_ =	shalt  }
0x7b: {  	_ =	shalt  }
0x7c: {  	_ =	shalt  }
0x7d: {  	_ =	shalt  }
0x7e: {  	_ =	shalt  }
0x7f: {  	_ =	shalt  }
0x80: {  	_ =	shalt  }
0x81: {  	_ =	shalt  }
0x82: {  	_ =	shalt  }
0x83: {  	_ =	shalt  }
0x84: {  	_ =	shalt  }
0x85: {  	_ =	shalt  }
0x86: {  	_ =	shalt  }
0x87: {  	_ =	shalt  }
.Lfunc_end0:
.L_simem_size_0:
called_computation_lowered:
.L_overlay_start_0:
0x88: {  	s2 =	sld [smem:$0x3FD9]  }
0x89: {  	s3 =	sld [smem:$0x3FFE];
	_ =	sdelay $0x1  }
0x8a: {  	s1 =	srdreg.scid  }
0x8b: {  	s0 =	sand.u32 $0x1, s1  }
0x8c: {  	s17 =	sshll.u32 s0, $0xA;
	s2 =	sadd.s32 s3, s2  }
0x8d: {  	s2 =	sadd.s32 s2, s17  }
0x8e: {  	[smem:$0x3FC3] =	sst s2  }
0x8f: {  	_ = 	snop  }
0x90: {  	s2 =	sld [smem:$0x3FC5]  }
0x91: {  	s18 =	sld [smem:$0x3FD0];
	(tm) =	ssettm $0x1  }
0x92: {  	s4 =	sld [smem:$0x3FFB];
	_ =	sdelay $0x3  }
0x93: {  	_ =	strace s4  }
0x94: {  	s4 =	sld [smem:$0x3FFC];
	_ =	sdelay $0x3  }
0x95: {  	_ =	strace s4  }
0x96: {  	s4 =	sld [smem:$0x3FFD];
	_ =	sdelay $0x3  }
0x97: {  	_ =	strace s4  }
0x98: {  	_ =	strace $0x8FFFFFFF  }
0x99: {  	s19 =	sld [smem:$0x3FDB];
	_ =	sdelay $0x1  }
0x9a: {  	s5 =	simm.s32 $_scs_section_size  }
0x9b: {  	s6 =	simm.s32 $_size__tile_overlayer_lowered;
	s7 =	simm.s32 $_tile_overlayer_lowered  }
0x9c: {  	s22 =	simm.s32 $0x1BFF;
	s21 =	sshll.u32 s7, $0x1;
	s4 =	sadd.s32 s5, s19  }
0x9d: {  	s8 =	simm.s32 $0x0;
	s20 =	sshll.u32 s6, $0x1;
	s6 =	sadd.s32 s21, s4  }
0x9e: {  	[timem:s8], [sflag:s22] =	dma.local [hbm:s6], s20  }
0x9f: {  	_ =	swait.ge [sflag:s22], s20  }
0xa0: {  	s5 =	ssub.s32 $0x0, s20;
	[sflag:s22] =	ssyncset.done $0x0  }
0xa1: {  	[sflag:s22] =	ssyncadd.s32 s5;
	_ =	sdelay $0x1  }
0xa2: {  	s23 =	simm.s32 $0x1B8B  }
0xa3: {  	_ =	swait.ge [sflag:s23], $0x1  }
0xa4: {  	[sflag:s23] =	ssyncset.done $0x0  }
0xa5: {  	s25 =	simm.s32 $0x1B8E;
	s24 =	sld [smem:$0x3FFE];
	[sflag:s23] =	ssyncadd.s32 $0xFFFFFFFF  }
0xa6: {  	s26 =	simm.s32 $execute0_lowered;
	[smem:$0x3FD2] =	sst s25  }
0xa7: {  	s6 =	sshll.u32 s26, $0x1;
	_ =	strace $0x80000046;
	[dreg:$0x1] =	wrdreg $0xFFFFFFFF  }
0xa8: {  	s28 =	simm.s32 $_size_execute0_lowered;
	s4 =	sadd.s32 s4, s6;
	[dreg:$0x0] =	wrdreg $0x0  }
0xa9: {  	s6 =	sshll.u32 s28, $0x1;
	[dreg:$0x2] =	wrdreg s4  }
0xaa: {  	[dreg:$0x3] =	wrdreg s6  }
0xab: {  	[dreg:$0x4] =	wrdreg $0xC0  }
0xac: {  	_ =	task [dreg:s8], $0x5FFFF  }
0xad: {  	[dreg:$0x1] =	wrdreg $0xFFFFFFFF  }
0xae: {  	[dreg:$0x0] =	wrdreg $0x60  }
0xaf: {  	[dreg:$0x2] =	wrdreg s18  }
0xb0: {  	[dreg:$0x3] =	wrdreg s2  }
0xb1: {  	[dreg:$0x4] =	wrdreg s24  }
0xb2: {  	[dreg:$0x5] =	wrdreg $0x9D000  }
0xb3: {  	[dreg:$0x6] =	wrdreg $0x9  }
0xb4: {  	_ =	task.clear_ibuf [dreg:s8], $0x7FFFF;
	_ =	strace $0x90000046  }
0xb5: {  	s29 =	simm.s32 $0x9;
	_ =	strace $0x80000048  }
0xb6: {  	_ =	swait.ge [sflag:s29], $0x1  }
0xb7: {  	[sflag:s29] =	ssyncadd.s32 $0xFFFFFFFF  }
0xb8: {  	_ =	strace $0x90000048  }
0xb9: {  	_ =	sfence  }
0xba: {  	s30 =	sld [smem:$0x0];
	_ =	sdelay $0x2  }
0xbb: {  	s31 =	sshll.u32 s1, $0xD;
	s1 =	sshrl.u32 s1, $0x2  }
0xbc: {  	s3 =	sand.u32 $0x4000, s31;
	s1 =	sadd.s32 s1, s30  }
0xbd: {  	s0 =	sor.u32 s3, s0;
	s1 =	sshll.u32 s1, $0x11  }
0xbe: {  	s0 =	sor.u32 s1, s0  }
0xbf: {  	s0 =	sadd.s32 $0x8F2B, s0  }
0xc0: {  	[sflag:s0] =	ssyncadd.remote.s32 $0x1  }
0xc1: {  	_ =	sfence.sel $0xFFFF  }
0xc2: {  	[dreg:$0x0] =	wrdreg $0xFFFFFFFF;
	(pc) =	sbr.abs _section_cstart, $3  }
0xc3: {  	[dreg:$0x1] =	wrdreg $0xFFFFFFFF  }
0xc4: {  	_ =	task.clear_ibuf [dreg:s8], $0x2FFFF;
	_ =	strace $0x9FFFFFFF  }
0xc5: {  	(tm) =	ssettm $0x7FFFFFFF  }
tec
execute0_lowered:
.L_overlay_start_1:
0x0: {  	(tag) =	ssettag $0x1  }
0x1: {  	s4 =	rddreg [dreg:$0x0]  }
0x2: {  	s5 =	rddreg [dreg:$0x1];
	s0 =	srdreg.scid  }
0x3: {  	s2 =	rddreg [dreg:$0x2];
	s1 =	simm.s32 $0x0;
	s24 =	stileid.u32  }
0x4: {  	s3 =	sand.u32 $0x1, s0;
	[smem:$0x7FF] =	sst s1;
	s7 =	smul.u32 $0x4E20, s24  }
0x5: {  	s13 =	sadd.s32 $0x3C00, s2;
	s9 =	sshll.u32 s24, $0x4;
	s20 =	smul.u32 $0x28000, s24  }
0x6: {  	s26 =	sadd.s32 $0x3C10, s2;
	s0 =	ssub.s32 $0x2, s3;
	s14 =	smul.u32 $0xA000, s3  }
0x7: {  	s12 =	sor.u32 $0x8, s9;
	s11 =	sor.u32 $0x9, s9;
	s6 =	sshrl.u32 s0, $0x1  }
0x8: {  	s19 =	sshrl.u32 s7, $0x3;
	s21 =	sshrl.u32 s12, $0x3;
	s22 =	sshrl.u32 s11, $0x3  }
0x9: {  	s7 =	sor.u32 $0xC, s9;
	s0 =	ssub.s32 s0, s6;
	s16 =	smul.u32 $0x14000, s21  }
0xa: {  	s4 =	sadd.s32 s4, s19;
	s5 =	sadd.s32 s5, s19;
	s17 =	smul.u32 $0x14000, s22  }
0xb: {  	s15 =	sadd.s32 s14, s20;
	s10 =	sshrl.u32 s7, $0x3;
	s7 =	smul.u32 $0x5000, s7  }
0xc: {  	s6 =	sor.u32 $0xB, s9;
	[dreg:$0x5] =	wrdreg s5;
	s20 =	smul.u32 $0x14000, s10  }
0xd: {  	s5 =	sor.u32 $0xA, s9;
	s8 =	sshrl.u32 s6, $0x3;
	s6 =	smul.u32 $0x5000, s6  }
0xe: {  	s10 =	sshllo.u32 s24, $0x4;
	s15 =	sshrl.u32 s15, $0x3;
	s19 =	smul.u32 $0x14000, s8  }
0xf: {  	s4 =	sadd.s32 $0x9C40, s4;
	s23 =	sshrl.u32 s5, $0x3;
	s5 =	smul.u32 $0x5000, s5  }
0x10: {  	s0 =	smax.u32 s0, $0x1;
	s8 =	sor.u32 $0xD, s9;
	s18 =	smul.u32 $0x14000, s23  }
0x11: {  	s9 =	sor.u32 $0xE, s9;
	s25 =	sshrl.u32 s8, $0x3;
	s8 =	smul.u32 $0x5000, s8  }
0x12: {  	s16 =	sadd.s32 s14, s16;
	s22 =	sshrl.u32 s9, $0x3;
	s9 =	smul.u32 $0x5000, s9  }
0x13: {  	s17 =	sadd.s32 s14, s17;
	s23 =	sshrl.u32 s10, $0x3;
	s10 =	smul.u32 $0x5000, s10  }
0x14: {  	s7 =	sshrl.u32 s7, $0x2;
	s20 =	sadd.s32 s14, s20;
	s21 =	smul.u32 $0x14000, s25  }
0x15: {  	s16 =	sshrl.u32 s16, $0x3;
	s17 =	sshrl.u32 s17, $0x3;
	s22 =	smul.u32 $0x14000, s22  }
0x16: {  	s6 =	sshrl.u32 s6, $0x2;
	s23 =	smul.u32 $0x14000, s23;
	s16 =	sadd.s32 s13, s16  }
0x17: {  	s19 =	sadd.s32 s14, s19;
	s13 =	sadd.s32 s13, s15;
	[dreg:$0x6] =	wrdreg s16  }
0x18: {  	s25 =	sadd.s32 s17, s26;
	s26 =	sadd.s32 s15, s26;
	[dreg:$0x7] =	wrdreg s13  }
0x19: {  	s17 =	sadd.s32 $0x3C20, s2;
	s20 =	sshrl.u32 s20, $0x3;
	[dreg:$0x8] =	wrdreg s25  }
0x1a: {  	s5 =	sshrl.u32 s5, $0x2;
	s18 =	sadd.s32 s14, s18;
	[dreg:$0x9] =	wrdreg s26  }
0x1b: {  	s19 =	sshrl.u32 s19, $0x3;
	s25 =	sadd.s32 $0x3C40, s2;
	s8 =	sshrl.u32 s8, $0x2  }
0x1c: {  	s9 =	sshrl.u32 s9, $0x2;
	s10 =	sshrl.u32 s10, $0x2;
	s21 =	sadd.s32 s14, s21  }
0x1d: {  	s22 =	sadd.s32 s14, s22;
	s16 =	sshrl.u32 s18, $0x3;
	s18 =	sadd.s32 s15, s17  }
0x1e: {  	s14 =	sadd.s32 s14, s23;
	s23 =	sadd.s32 $0x3C30, s2;
	[dreg:$0xb] =	wrdreg s18  }
0x1f: {  	s13 =	sadd.s32 s16, s17;
	s26 =	sadd.s32 s15, s23;
	s18 =	rddreg [dreg:$0x3]  }
0x20: {  	s17 =	sadd.s32 s20, s25;
	s20 =	sshrl.u32 s21, $0x3;
	[dreg:$0xa] =	wrdreg s13  }
0x21: {  	s21 =	sadd.s32 $0x3C50, s2;
	s14 =	sshrl.u32 s14, $0x3;
	[dreg:$0xd] =	wrdreg s26  }
0x22: {  	s13 =	sadd.s32 s19, s23;
	[dreg:$0xe] =	wrdreg s17;
	s19 =	sadd.s32 s15, s25  }
0x23: {  	s23 =	sshrl.u32 s22, $0x3;
	s25 =	sadd.s32 $0x3C60, s2;
	s16 =	sadd.s32 s15, s21  }
0x24: {  	s26 =	sadd.s32 $0x3C70, s2;
	s2 =	sadd.s32 $0x1200, s2;
	s22 =	sshll.u32 s24, $0x6  }
0x25: {  	s5 =	sadd.s32 s5, s18;
	s6 =	sadd.s32 s6, s18;
	s7 =	sadd.s32 s7, s18  }
0x26: {  	s8 =	sadd.s32 s8, s18;
	s9 =	sadd.s32 s9, s18;
	[dreg:$0xc] =	wrdreg s13  }
0x27: {  	s10 =	sadd.s32 s10, s18;
	[dreg:$0xf] =	wrdreg s19;
	s13 =	sadd.s32 s20, s21  }
0x28: {  	[dreg:$0x11] =	wrdreg s16;
	s17 =	sadd.s32 s15, s25;
	s19 =	smul.u32 $0x50200, s24  }
0x29: {  	s15 =	sadd.s32 s15, s26;
	s21 =	smul.u32 $0x5000, s12;
	[dreg:$0x10] =	wrdreg s13  }
0x2a: {  	s16 =	sor.u32 $0x140000, s22;
	s12 =	simm.s32 $0x1;
	[dreg:$0x13] =	wrdreg s17  }
0x2b: {  	s13 =	sadd.s32 s23, s25;
	[dreg:$0x14] =	wrdreg s15;
	s25 =	smul.u32 $0x50000, s24  }
0x2c: {  	s23 =	sor.u32 $0x1C01, s22;
	v1 =	vmov s16;
	s16 =	simm.s32 $0x10;
	s17 =	simm.s32 $0x0  }
0x2d: {  	[dreg:$0x12] =	wrdreg s13;
	s13 =	sadd.s32 s14, s26;
	s14 =	smul.u32 $0x1400, s3  }
0x2e: {  	s20 =	sshrl.u32 s19, $0x2;
	s26 =	smul.u32 $0x5000, s11;
	s3 =	sshrl.u32 s21, $0x2  }
0x2f: {  	s11 =	simm.s32 $0x2;
	[dreg:$0x15] =	wrdreg s13;
	s15 =	sshrl.u32 s25, $0x2  }
0x30: {  	s3 =	sadd.s32 s3, s18;
	_ =	strace $0x80000047;
	[dreg:$0x16] =	wrdreg s2  }
0x31: {  	s13 =	simm.s32 $0x3;
	s2 =	sadd.s32 s20, s18;
	[dreg:$0x17] =	wrdreg s4  }
0x32: {  	s24 =	sadd.s32 s15, s18;
	s4 =	sshrl.u32 s26, $0x2;
	[dreg:$0x18] =	wrdreg s0  }
0x33: {  	v0 =	vmov s14;
	s14 =	simm.s32 $0x80;
	s4 =	sadd.s32 s4, s18;
	s18 =	sadd.s32 $0x1400, s24  }
0x34: {  	s2 =	sshrl.u32 s2, $0x3;
	s19 =	sadd.s32 $0x2800, s24;
	s20 =	sadd.s32 $0x3C00, s24  }
0x35: {  	s21 =	sadd.s32 $0x5000, s24;
	s22 =	sadd.s32 $0x6400, s24;
	s25 =	sadd.s32 $0x7800, s24  }
0x36: {  	s26 =	sadd.s32 $0x8C00, s24;
	[dreg:$0x19] =	wrdreg s2;
	s28 =	sshrl.u32 s18, $0x3  }
0x37: {  	s29 =	sshrl.u32 s19, $0x3;
	s30 =	sshrl.u32 s20, $0x3;
	s31 =	sshrl.u32 s21, $0x3  }
0x38: {  	s15 =	sshrl.u32 s22, $0x3;
	s0 =	sshrl.u32 s25, $0x3;
	s19 =	sshrl.u32 s26, $0x3  }
0x39: {  	s2 =	sshrl.u32 s3, $0x3;
	s3 =	sshrl.u32 s4, $0x3;
	s4 =	sshrl.u32 s5, $0x3  }
0x3a: {  	s5 =	sshrl.u32 s6, $0x3;
	s6 =	sshrl.u32 s7, $0x3;
	s7 =	sshrl.u32 s8, $0x3  }
0x3b: {  	v2 =	vimm.s32 $0x10000;
	s8 =	sshrl.u32 s9, $0x3;
	s9 =	sshrl.u32 s10, $0x3;
	s10 =	simm.s32 $0x4E80  }
.LBB2_1:
0x3c: {  	s18 =	rddreg [dreg:$0x16]  }
0x3d: {  	s20 =	rddreg [dreg:$0x19]  }
0x3e: {  	[spmem:s20], [sflag:s23] =	dma.local [hbm:s18], $0x2810  }
0x3f: {  	s18 =	rddreg [dreg:$0x17]  }
0x40: {  	[tilespmem:s1], [sflag:$0x2] =	stream.linear.gather [hbm4b:s18+s1], $0x4E20, $0x38;
	[tilespmem:$0x1DD80] =	vst v63  }
0x41: {  	s26 =	rddreg [dreg:$0x5]  }
0x42: {  	[tilespmem:s10], [sflag:$0x2] =	stream.linear.gather [hbm4b:s26+s1], $0x4E20, $0x38;
	[tilespmem:$0x1DD80] =	vst v63  }
0x43: {  	_ =	swait.ge [sflag:s11], $0x4E20  }
0x44: {  	[sflag:s11] =	ssyncset.done $0x0  }
0x45: {  	[sflag:s11] =	ssyncadd.s32 $0xFFFFB1E0  }
0x46: {  	_ =	swait.ge [sflag:s11], $0x4E20  }
0x47: {  	[sflag:s11] =	ssyncset.done $0x0  }
0x48: {  	s18 =	simm.s32 $0x4EC0;
	[sflag:s11] =	ssyncadd.s32 $0xFFFFB1E0  }
0x49: {  	v5 =	vld [tilespmem:s18+$0x30]  }
0x4a: {  	s20 =	simm.s32 $0x40;
	v3 =	vld [tilespmem:s18+$0xFFFFFFC0]  }
0x4b: {  	v6 =	vld [tilespmem:s20+$0x30]  }
0x4c: {  	v8 =	vld [tilespmem:s18+$0xFFFFFFE0]  }
0x4d: {  	v13 =	vld [tilespmem:s18+$0x0]  }
0x4e: {  	v9 =	vld [tilespmem:s18+$0xFFFFFFF0]  }
0x4f: {  	v20 =	vld [tilespmem:s20+$0x0]  }
0x50: {  	v22 =	vld [tilespmem:s20+$0x10];
	v4 =	vand.u32 $0xFF, v5  }
0x51: {  	v7 =	vld [tilespmem:s18+$0xFFFFFFD0];
	v10 =	vand.u32 $0xFF, v3;
	vm0 =	vlt.s32 v3, $0x100;
	v11 =	vmul.u32 $0x1400, v4  }
0x52: {  	v6 =	vsub.s32 v6, v0;
	v14 =	vand.u32 $0xFF, v8;
	v19 =	vand.u32 $0xFF, v13  }
0x53: {  	v4 =	vsel vm0, $0x1, v2;
	vm0 =	vlt.u32 v6, $0x1400;
	v6 =	vadd.s32 v6, v11;
	v11 =	vld [tilespmem:s20+$0xFFFFFFD0]  }
0x54: {  	v16 =	vld [tilespmem:s20+$0xFFFFFFE0];
	vm1 =	vlt.s32 v8, $0x100;
	vm2 =	vlt.s32 v9, $0x100;
	v61 =	vsub.s32 v20, v0  }
0x55: {  	v3 =	vld [tilespmem:s18+$0x10];
	v62 =	vsub.s32 v22, v0;
	vm9 =	vlt.s32 v13, $0x100;
	v12 =	vmul.u32 $0x1400, v10  }
0x56: {  	v10 =	vand.u32 $0xFF, v7;
	v14 =	vmul.u32 $0x1400, v14;
	v19 =	vmul.u32 $0x1400, v19  }
0x57: {  	v15 =	vsel vm0, v6, v1;
	vm0 =	vlt.s32 v5, $0x100;
	v5 =	vld [tilespmem:s18+$0x20];
	v6 =	vmul.u32 $0x1400, v10  }
0x58: {  	v18 =	vld [tilespmem:s20+$0xFFFFFFF0];
	v17 =	vsel vm0, $0x1, v2;
	vm0 =	vlt.s32 v7, $0x100;
	v7 =	vsub.s32 v11, v0  }
0x59: {  	v11 =	vld [tilespmem:s20+$0x20];
	vm3 =	vlt.u32 v7, $0x1400;
	v6 =	vadd.s32 v7, v6;
	v7 =	vsub.s32 v16, v0  }
0x5a: {  	v21 =	vand.u32 $0xFF, v3;
	vm4 =	vlt.u32 v7, $0x1400;
	v7 =	vadd.s32 v7, v14;
	v14 =	vld [tilespmem:s20+$0xFFFFFFC0]  }
0x5b: {  	vm5 =	vlt.u32 v61, $0x1400;
	v10 =	vand.u32 $0xFF, v9;
	v9 =	vmul.u32 $0x1400, v21  }
0x5c: {  	vm6 =	vlt.u32 v62, $0x1400;
	v10 =	vmul.u32 $0x1400, v10;
	v8 =	vand.u32 $0xFF, v5  }
0x5d: {  	v9 =	vadd.s32 v62, v9;
	v60 =	vmul.u32 $0x1400, v8;
	v8 =	vsub.s32 v18, v0  }
0x5e: {  	v10 =	vadd.s32 v8, v10;
	vm7 =	vlt.u32 v8, $0x1400;
	v63 =	vsub.s32 v11, v0  }
0x5f: {  	[tilespmem:s20+$0x30] =	vst v15;
	v8 =	vadd.s32 v61, v19;
	v11 =	vadd.s32 v63, v60;
	v14 =	vsub.s32 v14, v0  }
0x60: {  	s21 =	simm.s32 $0x0;
	s22 =	simm.s32 $0x4F40;
	s25 =	simm.s32 $0x40;
	[tilespmem:s18+$0x30] =	vst v17;
	vm8 =	vlt.u32 v63, $0x1400;
	vm10 =	vlt.u32 v14, $0x1400;
	v12 =	vadd.s32 v14, v12  }
.LBB2_2:
0x61: {  	v13 =	vld [tilespmem:s22+$0x30];
	v12 =	vsel vm10, v12, v1;
	vm10 =	vlt.s32 v3, $0x100;
	vm11 =	vlt.s32 v5, $0x100  }
0x62: {  	s21 =	sadd.s32 $0x8, s21;
	v5 =	vsel vm3, v6, v1;
	v6 =	vsel vm4, v7, v1;
	v7 =	vsel vm7, v10, v1;
	s25 =	sadd.s32 $0x80, s25;
	v3 =	vld [tilespmem:s22+$0xFFFFFFC0];
	[tilespmem:s20+$0xFFFFFFC0] =	vst v12  }
0x63: {  	v8 =	vsel vm5, v8, v1;
	v9 =	vsel vm6, v9, v1;
	v11 =	vsel vm8, v11, v1;
	p0 =	slt.u32 s21, $0x4D8;
	v10 =	vld [tilespmem:s25+$0x30];
	[tilespmem:s18+$0xFFFFFFC0] =	vst v4  }
0x64: {  	v14 =	vsel vm2, $0x1, v2;
	v4 =	vsel vm0, $0x1, v2;
	v12 =	vld [tilespmem:s22+$0xFFFFFFD0];
	[tilespmem:s20+$0xFFFFFFD0] =	vst v5;
	v5 =	vsel vm1, $0x1, v2  }
0x65: {  	v16 =	vsel vm9, $0x1, v2;
	v17 =	vsel vm10, $0x1, v2;
	v18 =	vsel vm11, $0x1, v2;
	v15 =	vld [tilespmem:s22+$0xFFFFFFE0];
	[tilespmem:s18+$0xFFFFFFD0] =	vst v4  }
0x66: {  	v19 =	vld [tilespmem:s22+$0xFFFFFFF0];
	v4 =	vand.u32 $0xFF, v13;
	[tilespmem:s20+$0xFFFFFFE0] =	vst v6  }
0x67: {  	v6 =	vand.u32 $0xFF, v3;
	vm0 =	vlt.s32 v3, $0x100;
	v20 =	vld [tilespmem:s22+$0x0];
	v21 =	vmul.u32 $0x1400, v4;
	[tilespmem:s18+$0xFFFFFFE0] =	vst v5  }
0x68: {  	v22 =	vmul.u32 $0x1400, v6;
	v4 =	vsel vm0, $0x1, v2;
	v3 =	vld [tilespmem:s22+$0x10];
	v6 =	vsub.s32 v10, v0;
	[tilespmem:s20+$0xFFFFFFF0] =	vst v7  }
0x69: {  	v7 =	vand.u32 $0xFF, v12;
	v5 =	vld [tilespmem:s22+$0x20];
	vm0 =	vlt.u32 v6, $0x1400;
	v6 =	vadd.s32 v6, v21;
	[tilespmem:s18+$0xFFFFFFF0] =	vst v14  }
0x6a: {  	v10 =	vld [tilespmem:s25+$0xFFFFFFD0];
	v14 =	vand.u32 $0xFF, v15;
	v6 =	vsel vm0, v6, v1;
	vm0 =	vlt.s32 v13, $0x100;
	[tilespmem:s20+$0x0] =	vst v8  }
0x6b: {  	v7 =	vmul.u32 $0x1400, v7;
	v8 =	vld [tilespmem:s25+$0xFFFFFFE0];
	v13 =	vand.u32 $0xFF, v19;
	[tilespmem:s25+$0x30] =	vst v6;
	v6 =	vsel vm0, $0x1, v2  }
0x6c: {  	s26 =	simm.s32 $0x0;
	v14 =	vmul.u32 $0x1400, v14;
	v21 =	vld [tilespmem:s25+$0xFFFFFFF0];
	v13 =	vmul.u32 $0x1400, v13;
	v23 =	vand.u32 $0xFF, v20;
	[tilespmem:s22+$0x30] =	vst v6  }
0x6d: {  	vm0 =	vlt.s32 v12, $0x100;
	v12 =	vld [tilespmem:s25+$0x0];
	v23 =	vmul.u32 $0x1400, v23;
	v6 =	vand.u32 $0xFF, v3;
	[tilespmem:s18+$0x0] =	vst v16  }
0x6e: {  	vm1 =	vlt.s32 v15, $0x100;
	v15 =	vld [tilespmem:s25+$0x10];
	v16 =	vmul.u32 $0x1400, v6;
	v6 =	vand.u32 $0xFF, v5;
	[tilespmem:s20+$0x10] =	vst v9  }
0x6f: {  	vm2 =	vlt.s32 v19, $0x100;
	v9 =	vsub.s32 v10, v0;
	v19 =	vld [tilespmem:s25+$0x20];
	v24 =	vmul.u32 $0x1400, v6;
	[tilespmem:s18+$0x10] =	vst v17  }
0x70: {  	v17 =	vld [tilespmem:s25+$0xFFFFFFC0];
	vm3 =	vlt.u32 v9, $0x1400;
	v6 =	vadd.s32 v9, v7;
	v7 =	vsub.s32 v8, v0;
	[tilespmem:s20+$0x20] =	vst v11;
	s20 =	smov.u32 s25  }
0x71: {  	vm4 =	vlt.u32 v7, $0x1400;
	v7 =	vadd.s32 v7, v14;
	v8 =	vsub.s32 v21, v0;
	[tilespmem:s18+$0x20] =	vst v18;
	s18 =	smov.u32 s22  }
.Ltmp0:
0x72: {  	vm7 =	vlt.u32 v8, $0x1400;
	v10 =	vadd.s32 v8, v13;
	v8 =	vsub.s32 v12, v0;
	(pc) =	sbr.rel @p0 .LBB2_2-.Ltmp0, $4  }
0x73: {  	vm5 =	vlt.u32 v8, $0x1400;
	v8 =	vadd.s32 v8, v23;
	v9 =	vsub.s32 v15, v0  }
0x74: {  	vm6 =	vlt.u32 v9, $0x1400;
	v9 =	vadd.s32 v9, v16;
	v11 =	vsub.s32 v19, v0  }
0x75: {  	v12 =	vsub.s32 v17, v0;
	vm8 =	vlt.u32 v11, $0x1400;
	v11 =	vadd.s32 v11, v24  }
0x76: {  	vm9 =	vlt.s32 v20, $0x100;
	s22 =	sadd.s32 $0x80, s22;
	vm10 =	vlt.u32 v12, $0x1400;
	v12 =	vadd.s32 v12, v22  }
0x77: {  	v12 =	vsel vm10, v12, v1  }
0x78: {  	v6 =	vsel vm3, v6, v1;
	[tilespmem:s20+$0xFFFFFFC0] =	vst v12  }
0x79: {  	v56 =	vsel vm4, v7, v1;
	[tilespmem:s20+$0xFFFFFFD0] =	vst v6  }
0x7a: {  	v58 =	vsel vm7, v10, v1;
	[tilespmem:s20+$0xFFFFFFE0] =	vst v56  }
0x7b: {  	v60 =	vsel vm5, v8, v1;
	[tilespmem:s20+$0xFFFFFFF0] =	vst v58  }
0x7c: {  	vm14 =	vlt.s32 v3, $0x100;
	v3 =	vsel vm6, v9, v1;
	[tilespmem:s20+$0x0] =	vst v60  }
0x7d: {  	[tilespmem:s20+$0x10] =	vst v3  }
0x7e: {  	v55 =	vsel vm0, $0x1, v2;
	[tilespmem:s18+$0xFFFFFFC0] =	vst v4  }
0x7f: {  	v57 =	vsel vm1, $0x1, v2;
	[tilespmem:s18+$0xFFFFFFD0] =	vst v55  }
0x80: {  	v59 =	vsel vm2, $0x1, v2;
	[tilespmem:s18+$0xFFFFFFE0] =	vst v57  }
0x81: {  	v61 =	vsel vm9, $0x1, v2;
	[tilespmem:s18+$0xFFFFFFF0] =	vst v59  }
0x82: {  	v62 =	vsel vm14, $0x1, v2;
	[tilespmem:s18+$0x0] =	vst v61  }
0x83: {  	vm15 =	vlt.s32 v5, $0x100;
	v3 =	vsel vm8, v11, v1;
	[tilespmem:s18+$0x10] =	vst v62  }
0x84: {  	v63 =	vsel vm15, $0x1, v2;
	[tilespmem:s20+$0x20] =	vst v3  }
0x85: {  	[tilespmem:s18+$0x20] =	vst v63  }
.LBB2_4:
0x86: {  	s18 =	sshra.s32 s26, $0x2  }
0x87: {  	v3 =	vld [tilespmem:s18+$0x9C80];
	_ =	sdelay $0x1  }
0x88: {  	v4 =	vld [tilespmem:s18+$0x4E00];
	_ =	sdelay $0x2  }
0x89: {  	p0 =	sne.s32 s26, $0x40;
	v5 =	vand.u32 $0xFF, v3  }
.Ltmp1:
0x8a: {  	v5 =	vmul.u32 $0x1400, v5;
	(pc) =	sbr.rel @p0 .LBB2_4-.Ltmp1, $4  }
0x8b: {  	v4 =	vsub.s32 v4, v0;
	vm15 =	vlt.s32 v3, $0x100  }
0x8c: {  	vm0 =	vlt.u32 v4, $0x1400;
	v3 =	vsel vm15, $0x1, v2;
	v4 =	vadd.s32 v4, v5  }
0x8d: {  	[tilespmem:s18+$0x9C80] =	vst v3;
	v4 =	vsel vm0, v4, v1  }
0x8e: {  	s26 =	sadd.s32 $0x40, s26;
	[tilespmem:s18+$0x4E00] =	vst v4  }
0x8f: {  	_ =	swait.ge [sflag:s12], $0x2810  }
0x90: {  	[sflag:s12] =	ssyncset.done $0x0  }
0x91: {  	[sflag:s12] =	ssyncadd.s32 $0xFFFFD7F0  }
0x92: {  	[bflag:$0x0] =	sbarrier.arrive $0xFFFF  }
0x93: {  	s20 =	simm.s32 $0x4E20;
	s18 =	rddreg [dreg:$0x3]  }
0x94: {  	[spmem:s18] =	stream.indirect.scatter.add.s32 [tilespmem:s10], [sflag:$0x3], $0x1, s1, s20, $0xb8;
	[tilespmem:$0x1DD80] =	vst v63  }
0x95: {  	_ =	swait.ge [sflag:s13], $0x4E20  }
0x96: {  	[sflag:s13] =	ssyncset.done $0x0  }
0x97: {  	[sflag:s13] =	ssyncadd.s32 $0xFFFFB1E0  }
0x98: {  	[bflag:$0x0] =	sbarrier.arrive $0xFFFF  }
0x99: {  	s22 =	sshrl.u32 s24, $0x3;
	s25 =	rddreg [dreg:$0x7]  }
0x9a: {  	[hbm:s25@s14], [sflag:s23] =	dma.strided [spmem:s22@s16], $0x280, s12, $0x10   }
0x9b: {  	s18 =	rddreg [dreg:$0x9]  }
0x9c: {  	[hbm:s18@s14], [sflag:s23] =	dma.strided [spmem:s28@s16], $0x280, s12, $0x10   }
0x9d: {  	s18 =	rddreg [dreg:$0xb]  }
0x9e: {  	[hbm:s18@s14], [sflag:s23] =	dma.strided [spmem:s29@s16], $0x280, s12, $0x10   }
0x9f: {  	s18 =	rddreg [dreg:$0xd]  }
0xa0: {  	[hbm:s18@s14], [sflag:s23] =	dma.strided [spmem:s30@s16], $0x280, s12, $0x10   }
0xa1: {  	s18 =	rddreg [dreg:$0xf]  }
0xa2: {  	[hbm:s18@s14], [sflag:s23] =	dma.strided [spmem:s31@s16], $0x280, s12, $0x10   }
0xa3: {  	s18 =	rddreg [dreg:$0x11]  }
0xa4: {  	[hbm:s18@s14], [sflag:s23] =	dma.strided [spmem:s15@s16], $0x280, s12, $0x10   }
0xa5: {  	s18 =	rddreg [dreg:$0x13]  }
0xa6: {  	[hbm:s18@s14], [sflag:s23] =	dma.strided [spmem:s0@s16], $0x280, s12, $0x10   }
0xa7: {  	s18 =	rddreg [dreg:$0x14]  }
0xa8: {  	[hbm:s18@s14], [sflag:s23] =	dma.strided [spmem:s19@s16], $0x280, s12, $0x10   }
0xa9: {  	s18 =	rddreg [dreg:$0x6]  }
0xaa: {  	[hbm:s18@s14], [sflag:s23] =	dma.strided [spmem:s2@s16], $0x280, s12, $0x10   }
0xab: {  	s18 =	rddreg [dreg:$0x8]  }
0xac: {  	[hbm:s18@s14], [sflag:s23] =	dma.strided [spmem:s3@s16], $0x280, s12, $0x10   }
0xad: {  	s18 =	rddreg [dreg:$0xa]  }
0xae: {  	[hbm:s18@s14], [sflag:s23] =	dma.strided [spmem:s4@s16], $0x280, s12, $0x10   }
0xaf: {  	s18 =	rddreg [dreg:$0xc]  }
0xb0: {  	[hbm:s18@s14], [sflag:s23] =	dma.strided [spmem:s5@s16], $0x280, s12, $0x10   }
0xb1: {  	s18 =	rddreg [dreg:$0xe]  }
0xb2: {  	[hbm:s18@s14], [sflag:s23] =	dma.strided [spmem:s6@s16], $0x280, s12, $0x10   }
0xb3: {  	s18 =	rddreg [dreg:$0x10]  }
0xb4: {  	[hbm:s18@s14], [sflag:s23] =	dma.strided [spmem:s7@s16], $0x280, s12, $0x10   }
0xb5: {  	s18 =	rddreg [dreg:$0x12]  }
0xb6: {  	[hbm:s18@s14], [sflag:s23] =	dma.strided [spmem:s8@s16], $0x280, s12, $0x10   }
0xb7: {  	s18 =	rddreg [dreg:$0x15]  }
0xb8: {  	[hbm:s18@s14], [sflag:s23] =	dma.strided [spmem:s9@s16], $0x280, s12, $0x10   }
0xb9: {  	_ =	swait.ge [sflag:s12], $0x280  }
0xba: {  	[sflag:s12] =	ssyncset.done $0x0  }
0xbb: {  	[sflag:s12] =	ssyncadd.s32 $0xFFFFFD80  }
0xbc: {  	_ =	swait.ge [sflag:s12], $0x280  }
0xbd: {  	[sflag:s12] =	ssyncset.done $0x0  }
0xbe: {  	[sflag:s12] =	ssyncadd.s32 $0xFFFFFD80  }
0xbf: {  	_ =	swait.ge [sflag:s12], $0x280  }
0xc0: {  	[sflag:s12] =	ssyncset.done $0x0  }
0xc1: {  	[sflag:s12] =	ssyncadd.s32 $0xFFFFFD80  }
0xc2: {  	_ =	swait.ge [sflag:s12], $0x280  }
0xc3: {  	[sflag:s12] =	ssyncset.done $0x0  }
0xc4: {  	[sflag:s12] =	ssyncadd.s32 $0xFFFFFD80  }
0xc5: {  	_ =	swait.ge [sflag:s12], $0x280  }
0xc6: {  	[sflag:s12] =	ssyncset.done $0x0  }
0xc7: {  	[sflag:s12] =	ssyncadd.s32 $0xFFFFFD80  }
0xc8: {  	_ =	swait.ge [sflag:s12], $0x280  }
0xc9: {  	[sflag:s12] =	ssyncset.done $0x0  }
0xca: {  	[sflag:s12] =	ssyncadd.s32 $0xFFFFFD80  }
0xcb: {  	_ =	swait.ge [sflag:s12], $0x280  }
0xcc: {  	[sflag:s12] =	ssyncset.done $0x0  }
0xcd: {  	[sflag:s12] =	ssyncadd.s32 $0xFFFFFD80  }
0xce: {  	_ =	swait.ge [sflag:s12], $0x280  }
0xcf: {  	[sflag:s12] =	ssyncset.done $0x0  }
0xd0: {  	[sflag:s12] =	ssyncadd.s32 $0xFFFFFD80  }
0xd1: {  	_ =	swait.ge [sflag:s12], $0x280  }
0xd2: {  	[sflag:s12] =	ssyncset.done $0x0  }
0xd3: {  	[sflag:s12] =	ssyncadd.s32 $0xFFFFFD80  }
0xd4: {  	_ =	swait.ge [sflag:s12], $0x280  }
0xd5: {  	[sflag:s12] =	ssyncset.done $0x0  }
0xd6: {  	[sflag:s12] =	ssyncadd.s32 $0xFFFFFD80  }
0xd7: {  	_ =	swait.ge [sflag:s12], $0x280  }
0xd8: {  	[sflag:s12] =	ssyncset.done $0x0  }
0xd9: {  	[sflag:s12] =	ssyncadd.s32 $0xFFFFFD80  }
0xda: {  	_ =	swait.ge [sflag:s12], $0x280  }
0xdb: {  	[sflag:s12] =	ssyncset.done $0x0  }
0xdc: {  	[sflag:s12] =	ssyncadd.s32 $0xFFFFFD80  }
0xdd: {  	_ =	swait.ge [sflag:s12], $0x280  }
0xde: {  	[sflag:s12] =	ssyncset.done $0x0  }
0xdf: {  	[sflag:s12] =	ssyncadd.s32 $0xFFFFFD80  }
0xe0: {  	_ =	swait.ge [sflag:s12], $0x280  }
0xe1: {  	[sflag:s12] =	ssyncset.done $0x0  }
0xe2: {  	[sflag:s12] =	ssyncadd.s32 $0xFFFFFD80  }
0xe3: {  	_ =	swait.ge [sflag:s12], $0x280  }
0xe4: {  	[sflag:s12] =	ssyncset.done $0x0  }
0xe5: {  	[sflag:s12] =	ssyncadd.s32 $0xFFFFFD80  }
0xe6: {  	_ =	swait.ge [sflag:s12], $0x280  }
0xe7: {  	s17 =	sadd.s32 $0x1, s17;
	s26 =	rddreg [dreg:$0x18]  }
0xe8: {  	p0 =	sne.s32 s17, s26  }
.Ltmp2:
0xe9: {  	_ = 	snop;
	(pc) =	sbr.rel @p0 .LBB2_1-.Ltmp2, $3  }
0xea: {  	_ =	sdelay $0x1  }
0xeb: {  	[sflag:s12] =	ssyncset.done $0x0  }
0xec: {  	[sflag:s12] =	ssyncadd.s32 $0xFFFFFD80  }
0xed: {  	_ =	sfence.sel $0x180000  }
0xee: {  	[bflag:$0x0] =	sbarrier.arrive $0xFFFF  }
0xef: {  	_ =	strace $0x90000047  }
0xf0: {  	s0 =	stileid.u32;
	[bflag:$0x2] =	sbarrier.arrive $0xFFFF  }
0xf1: {  	p0 =	sne.s32 s0, $0x0;
	s0 =	rddreg [dreg:$0x4]  }
0xf2: {  	s0 =	sadd.s32 @!p0 $0x100000, s0  }
0xf3: {  	[sflag:s0] =	ssyncadd.tile.s32 @!p0 $0x1;
	_ =	shalt  }
.Lfunc_end2:
_tile_overlayer_lowered:
.L_overlay_start_2:
0xf4: {  	(tag) =	ssettag $0x2  }
0xf5: {  	s0 =	rddreg [dreg:$0x0];
	s2 =	stileid.u32  }
0xf6: {  	s1 =	rddreg [dreg:$0x1];
	p0 =	sne.s32 s2, $0x0  }
0xf7: {  	s3 =	rddreg [dreg:$0x2];
	[bflag:$0x3] =	sbarrier.arrive $0xFFFF;
	s2 =	simm.s32 @!p0 $0x1C03  }
0xf8: {  	[timem:s3], [sflag:s2] =	dma.local @!p0 [hbm:s0], s1  }
0xf9: {  	s0 =	simm.s32 @!p0 $0x3  }
0xfa: {  	_ =	swait.ge @!p0 [sflag:s0], s1  }
0xfb: {  	s1 =	ssub.s32 @!p0 $0x0, s1;
	[sflag:s0] =	ssyncset.done @!p0 $0x0  }
0xfc: {  	[sflag:s0] =	ssyncadd.s32 @!p0 s1  }
0xfd: {  	[bflag:$0x3] =	sbarrier.arrive $0xFFFF  }
0xfe: {  	_ =	shalt  }

</sc_bundles>
